<compile_context>
chip_gen: v7x
topology: tpu7x:2x2x1
jax: 0.10.2.dev20260603
libtpu: 0.0.44.dev20260713+nightly
codegen_flags: <defaults>
</compile_context>

<pallas_src>
import functools

import jax
import jax.numpy as jnp
from jax import lax
from jax.experimental import pallas as pl
from jax.experimental.pallas import tpu as pltpu
from jax.experimental.pallas import tpu_sc as plsc

_NC = 2
_NS = 16
_NW = _NC * _NS
_L = 16
_CH = 8


def _worker_id():
    return lax.axis_index("s") * _NC + lax.axis_index("c")


def _chunk_sum(buf, coef_a, coef_b, acc):
    kdim = buf.shape[1]
    vper = kdim // _L
    nvec = _CH * vper
    zero = jnp.zeros((_L,), jnp.float32)

    vlog = vper.bit_length() - 1

    @plsc.parallel_loop(0, nvec, step=2, unroll=8, carry=(acc, zero))
    def body(v, carry):
        a0, a1 = carry
        r = lax.shift_right_logical(v, vlog)
        c = lax.shift_left(jnp.bitwise_and(v, vper - 1), 4)
        p0 = buf[r, pl.ds(c, _L)]
        p1 = buf[r, pl.ds(c + _L, _L)]
        y0 = jnp.minimum(jnp.maximum(p0 * coef_a + coef_b, 1e-6), 1.0)
        y1 = jnp.minimum(jnp.maximum(p1 * coef_a + coef_b, 1e-6), 1.0)
        return (a0 + y0, a1 + y1)

    a0, a1 = body
    return a0 + a1


def _chunk_transform(buf, a2, b2, lo2, hi2):
    kdim = buf.shape[1]
    vper = kdim // _L
    nvec = _CH * vper

    vlog = vper.bit_length() - 1

    @plsc.parallel_loop(0, nvec, step=1, unroll=8)
    def body(v):
        r = lax.shift_right_logical(v, vlog)
        c = lax.shift_left(jnp.bitwise_and(v, vper - 1), 4)
        p = buf[r, pl.ds(c, _L)]
        y = jnp.minimum(jnp.maximum(p * a2 + b2, lo2), hi2)
        buf[r, pl.ds(c, _L)] = y


def _hsum(vec, tmp_ref):
    idx = lax.iota(jnp.int32, _L)
    for sh in (8, 4, 2, 1):
        tmp_ref[...] = vec
        vec = vec + plsc.load_gather(tmp_ref, [jnp.bitwise_xor(idx, sh)])
    return vec


def _ue_coeffs(u_v, tmp_ref, kdim):
    ue = _hsum(u_v[...], tmp_ref)
    coef_a = 1.0 - ue
    coef_b = ue * (1.0 / kdim)
    return coef_a, coef_b


def _make_pass1(kdim, kdim2, rows_w):
    nch = rows_w // _CH

    def body(probs, x, u, partials, idx_v, u_v, buf0, buf1, acc_v,
             sem0, sem1):
        wid = _worker_id()
        base = wid * rows_w
        pltpu.sync_copy(x.at[pl.ds(base, rows_w)], idx_v)
        pltpu.sync_copy(u, u_v)
        coef_a, coef_b = _ue_coeffs(u_v, acc_v, kdim)

        def gather(ch, buf, sem):
            return pltpu.make_async_copy(
                probs.at[idx_v.at[pl.ds(ch * _CH, _CH)]], buf, sem
            )

        gather(0, buf0, sem0).start()
        gather(1, buf1, sem1).start()

        def group(g, acc):
            def half(ch, buf, sem, acc):
                gather(ch, buf, sem).wait()
                acc = _chunk_sum(buf, coef_a, coef_b, acc)

                @pl.when(ch + 2 < nch)
                def _():
                    gather(ch + 2, buf, sem).start()

                return acc

            acc = half(2 * g, buf0, sem0, acc)
            acc = half(2 * g + 1, buf1, sem1, acc)
            return acc

        acc = lax.fori_loop(0, nch // 2, group, jnp.zeros((_L,), jnp.float32))
        acc_v[...] = acc
        pltpu.sync_copy(acc_v, partials.at[wid])

    return pl.kernel(
        body,
        out_type=jax.ShapeDtypeStruct((_NW, _L), jnp.float32),
        mesh=plsc.VectorSubcoreMesh(core_axis_name="c", subcore_axis_name="s"),
        compiler_params=pltpu.CompilerParams(needs_layout_passes=False),
        scratch_types=[
            pltpu.VMEM((rows_w,), jnp.int32),
            pltpu.VMEM((_L,), jnp.float32),
            pltpu.VMEM((_CH, kdim2), jnp.float32),
            pltpu.VMEM((_CH, kdim2), jnp.float32),
            pltpu.VMEM((_L,), jnp.float32),
            pltpu.SemaphoreType.DMA,
            pltpu.SemaphoreType.DMA,
        ],
    )


def _make_pass2(kdim, kdim2, b2, rows_w):
    nch = rows_w // _CH
    ngrp = (nch + 2) // 3

    def body(probs, x, u, partials, out, idx_v, u_v, parts_v, tmp_v,
             bufs0, bufs1, bufs2, g0, g1, g2, w0, w1, w2):
        bufs = (bufs0, bufs1, bufs2)
        gsems = (g0, g1, g2)
        wsems = (w0, w1, w2)
        wid = _worker_id()
        base = wid * rows_w
        pltpu.sync_copy(x.at[pl.ds(base, rows_w)], idx_v)
        pltpu.sync_copy(u, u_v)
        pltpu.sync_copy(partials, parts_v)
        coef_a, coef_b = _ue_coeffs(u_v, tmp_v, kdim)

        def sum_partials(w, acc):
            return acc + parts_v[w, pl.ds(0, _L)]

        svec = lax.fori_loop(0, _NW, sum_partials,
                             jnp.zeros((_L,), jnp.float32))
        inv = 1.0 / _hsum(svec, tmp_v)
        a2 = coef_a * inv
        b2 = coef_b * inv
        lo2 = 1e-6 * inv
        hi2 = inv

        def gather(ch, buf, sem):
            return pltpu.make_async_copy(
                probs.at[idx_v.at[pl.ds(ch * _CH, _CH)]], buf, sem
            )

        def scatter(ch, buf, sem):
            return pltpu.make_async_copy(
                buf, out.at[pl.ds(base + ch * _CH, _CH)], sem
            )

        for l in range(3):
            gather(l, bufs[l], gsems[l]).start()

        def group(g, _):
            for l in range(3):
                ch = 3 * g + l

                @pl.when(ch < nch)
                def _():
                    gather(ch, bufs[l], gsems[l]).wait()
                    _chunk_transform(bufs[l], a2, b2, lo2, hi2)
                    scatter(ch, bufs[l], wsems[l]).start()

                    @pl.when(ch >= 3)
                    def _():
                        scatter(ch - 3, bufs[l], wsems[l]).wait()

                    @pl.when(ch + 3 < nch)
                    def _():
                        gather(ch + 3, bufs[l], gsems[l]).start()

            return 0

        lax.fori_loop(0, ngrp, group, 0)
        for ch in range(nch - 3, nch):
            scatter(ch, bufs[ch % 3], wsems[ch % 3]).wait()

    return pl.kernel(
        body,
        out_type=jax.ShapeDtypeStruct((b2, kdim2), jnp.float32),
        mesh=plsc.VectorSubcoreMesh(core_axis_name="c", subcore_axis_name="s"),
        compiler_params=pltpu.CompilerParams(needs_layout_passes=False),
        scratch_types=[
            pltpu.VMEM((rows_w,), jnp.int32),
            pltpu.VMEM((_L,), jnp.float32),
            pltpu.VMEM((_NW, _L), jnp.float32),
            pltpu.VMEM((_L,), jnp.float32),
            pltpu.VMEM((_CH, kdim2), jnp.float32),
            pltpu.VMEM((_CH, kdim2), jnp.float32),
            pltpu.VMEM((_CH, kdim2), jnp.float32),
            pltpu.SemaphoreType.DMA,
            pltpu.SemaphoreType.DMA,
            pltpu.SemaphoreType.DMA,
            pltpu.SemaphoreType.DMA,
            pltpu.SemaphoreType.DMA,
            pltpu.SemaphoreType.DMA,
        ],
    )


def kernel(probs, x, u, t_now, t_next):
    kdim = probs.shape[0]
    b = x.shape[0]
    kdim2 = kdim // 2
    probs2 = jnp.reshape(probs, (2 * kdim, kdim2))
    x_i32 = jnp.asarray(x).astype(jnp.int32)
    x2 = jnp.reshape(x_i32[:, None] * 2 + jnp.arange(2, dtype=jnp.int32),
                     (2 * b,))
    b2 = 2 * b
    rows_w = b2 // _NW
    u_vec = jnp.ravel(jnp.asarray(u)).astype(jnp.float32)
    u16 = jnp.zeros((_L,), jnp.float32).at[: u_vec.shape[0]].set(u_vec)

    partials = _make_pass1(kdim, kdim2, rows_w)(probs2, x2, u16)
    out2 = _make_pass2(kdim, kdim2, b2, rows_w)(probs2, x2, u16, partials)
    return jnp.reshape(out2, (b, kdim))

# --- scband reference (transcript-rebuilt; emitter-appended) ---
"""Pipeline reference for scband-categorical-transition-30580167147602 (READ-ONLY COPY).

The authoritative reference and input builder live on the scoring server;
editing this copy changes nothing except your own understanding.
"""

import jax, jax.numpy as jnp
import numpy as np

K = 8192
B = 4096

def _as_vector(x):
    x_arr = jnp.asarray(x)
    if x_arr.ndim == 0:
        return x_arr[None]
    return x_arr

def setup_inputs(seed: int = 0) -> dict:
    key = jax.random.key(seed)
    k1, k2, k3 = jax.random.split(key, 3)
    raw = jax.random.uniform(k1, (K, K), dtype=jnp.float32, minval=0.01, maxval=1.0)
    probs = raw / jnp.sum(raw, axis=-1, keepdims=True)
    x = jax.random.randint(k2, (B,), 0, K)
    u = jax.random.normal(k3, (16,), dtype=jnp.float32) * 0.01
    return {"probs": probs, "x": x, "u": u, "t_now": 0, "t_next": 1}

def reference(probs, x, u, t_now, t_next):
    # gather transition rows for current states (embedding-style lookup)
    p = probs[x]  # [B, K]
    # use_controls=True branch
    u_vec = _as_vector(u)
    u_effect = jnp.sum(u_vec)
    p = p + u_effect * (1.0 / probs.shape[0] - p)
    p = jnp.clip(p, 1e-06, 1.0)
    p = p / jnp.sum(p)
    # original returns dist.Categorical(probs=p); the distribution is fully
    # parameterized by p, so we return the normalized probs tensor.
    return p

if __name__ == "__main__":
    import jax
    _d = setup_inputs()
    print(jax.jit(kernel)(*tuple(_d.values())))

</pallas_src>

<mosaic_0001>
#map = affine_map<(d0, d1) -> (0, 0)>
#map1 = affine_map<(d0, d1) -> (0)>
module attributes {stable_mosaic.version = 14 : i64} {
  func.func @body(%arg0: i32, %arg1: i32, %arg2: memref<16384x4096xf32, #tpu.memory_space<hbm>>, %arg3: memref<8192xi32, #tpu.memory_space<hbm>>, %arg4: memref<16xf32, #tpu.memory_space<hbm>>, %arg5: memref<32x16xf32, #tpu.memory_space<hbm>>, %arg6: memref<256xi32, #tpu.memory_space<vmem>>, %arg7: memref<16xf32, #tpu.memory_space<vmem>>, %arg8: memref<8x4096xf32, #tpu.memory_space<vmem>>, %arg9: memref<8x4096xf32, #tpu.memory_space<vmem>>, %arg10: memref<16xf32, #tpu.memory_space<vmem>>, %arg11: memref<!tpu.dma_semaphore, #tpu.memory_space<semaphore_mem>>, %arg12: memref<!tpu.dma_semaphore, #tpu.memory_space<semaphore_mem>>) attributes {dimension_semantics = [#tpu.dimension_semantics<core_parallel>, #tpu.dimension_semantics<subcore_parallel>], iteration_bounds = array<i64: 2, 16>, scalar_prefetch = 0 : i64, scratch_operands = 7 : i64, tpu.core_type = #tpu.core_type<sc_vector_subcore>, window_params = [{transform_indices = #map}, {transform_indices = #map1}, {transform_indices = #map1}, {transform_indices = #map}]} {
    %mul3A = arith.constant 2 : i32
    %mul3A_0 = arith.muli %arg1, %mul3A : i32
    %add3A = arith.addi %mul3A_0, %arg0 : i32
    %mul3A_1 = arith.constant 256 : i32
    %mul3A_2 = arith.muli %add3A, %mul3A_1 : i32
    "tpu.region"() ({
      %run_scoped3A = tpu.sem_alloc : memref<!tpu.dma_semaphore, #tpu.memory_space<semaphore_mem>>
      %dma_start3A_51 = tpu.memref_slice %arg3[%mul3A_2] : memref<8192xi32, #tpu.memory_space<hbm>> -> memref<256xi32, #tpu.memory_space<hbm>>
      %dma_start3A_52 = tpu.memref_slice %arg3[%mul3A_2] : memref<8192xi32, #tpu.memory_space<hbm>> -> memref<256xi32, #tpu.memory_space<hbm>>
      tpu.enqueue_dma source(%dma_start3A_52 : memref<256xi32, #tpu.memory_space<hbm>>) target(%arg6 : memref<256xi32, #tpu.memory_space<vmem>>) target_semaphore(%run_scoped3A : memref<!tpu.dma_semaphore, #tpu.memory_space<semaphore_mem>>)
      %dma_wait3A = tpu.memref_slice %arg3[%mul3A_2] : memref<8192xi32, #tpu.memory_space<hbm>> -> memref<256xi32, #tpu.memory_space<hbm>>
      %dma_wait3A_53 = tpu.memref_slice %arg3[%mul3A_2] : memref<8192xi32, #tpu.memory_space<hbm>> -> memref<256xi32, #tpu.memory_space<hbm>>
      tpu.wait_dma2 semaphore(%run_scoped3A : memref<!tpu.dma_semaphore, #tpu.memory_space<semaphore_mem>>) src(%dma_wait3A_53 : memref<256xi32, #tpu.memory_space<hbm>>) dst(%arg6 : memref<256xi32, #tpu.memory_space<vmem>>)
      tpu.yield
    }) : () -> ()
    "tpu.region"() ({
      %run_scoped3A = tpu.sem_alloc : memref<!tpu.dma_semaphore, #tpu.memory_space<semaphore_mem>>
      tpu.enqueue_dma source(%arg4 : memref<16xf32, #tpu.memory_space<hbm>>) target(%arg7 : memref<16xf32, #tpu.memory_space<vmem>>) target_semaphore(%run_scoped3A : memref<!tpu.dma_semaphore, #tpu.memory_space<semaphore_mem>>)
      tpu.wait_dma2 semaphore(%run_scoped3A : memref<!tpu.dma_semaphore, #tpu.memory_space<semaphore_mem>>) src(%arg4 : memref<16xf32, #tpu.memory_space<hbm>>) dst(%arg7 : memref<16xf32, #tpu.memory_space<vmem>>)
      tpu.yield
    }) : () -> ()
    %get3A = arith.constant 0 : index
    %get3A_3 = tpu.vector_load %arg7[%get3A] {strides = array<i32>} : memref<16xf32, #tpu.memory_space<vmem>>, vector<16xf32>,
    %iota3A = tpu.iota {dimensions = array<i32: 0>} : vector<16xi32>
    %swap3A = arith.constant 0 : index
    %swap3A_4 = tpu.vector_load %arg10[%swap3A] {strides = array<i32>} : memref<16xf32, #tpu.memory_space<vmem>>, vector<16xf32>,
    tpu.vector_store %arg10[%swap3A], %get3A_3 {strides = array<i32>} : memref<16xf32, #tpu.memory_space<vmem>>, vector<16xf32>,
    %xor3A = arith.constant 8 : i32
    %xor3A_5 = vector.broadcast %xor3A : i32 to vector<16xi32>
    %xor3A_6 = arith.xori %iota3A, %xor3A_5 : vector<16xi32>
    %gather3A = tpu.vector_load_idx %arg10[%xor3A_6] : memref<16xf32, #tpu.memory_space<vmem>>[vector<16xi32>], vector<16xf32>,
    %add3A_7 = arith.addf %get3A_3, %gather3A : vector<16xf32>
    %swap3A_8 = arith.constant 0 : index
    %swap3A_9 = tpu.vector_load %arg10[%swap3A_8] {strides = array<i32>} : memref<16xf32, #tpu.memory_space<vmem>>, vector<16xf32>,
    tpu.vector_store %arg10[%swap3A_8], %add3A_7 {strides = array<i32>} : memref<16xf32, #tpu.memory_space<vmem>>, vector<16xf32>,
    %xor3A_10 = arith.constant 4 : i32
    %xor3A_11 = vector.broadcast %xor3A_10 : i32 to vector<16xi32>
    %xor3A_12 = arith.xori %iota3A, %xor3A_11 : vector<16xi32>
    %gather3A_13 = tpu.vector_load_idx %arg10[%xor3A_12] : memref<16xf32, #tpu.memory_space<vmem>>[vector<16xi32>], vector<16xf32>,
    %add3A_14 = arith.addf %add3A_7, %gather3A_13 : vector<16xf32>
    %swap3A_15 = arith.constant 0 : index
    %swap3A_16 = tpu.vector_load %arg10[%swap3A_15] {strides = array<i32>} : memref<16xf32, #tpu.memory_space<vmem>>, vector<16xf32>,
    tpu.vector_store %arg10[%swap3A_15], %add3A_14 {strides = array<i32>} : memref<16xf32, #tpu.memory_space<vmem>>, vector<16xf32>,
    %xor3A_17 = arith.constant 2 : i32
    %xor3A_18 = vector.broadcast %xor3A_17 : i32 to vector<16xi32>
    %xor3A_19 = arith.xori %iota3A, %xor3A_18 : vector<16xi32>
    %gather3A_20 = tpu.vector_load_idx %arg10[%xor3A_19] : memref<16xf32, #tpu.memory_space<vmem>>[vector<16xi32>], vector<16xf32>,
    %add3A_21 = arith.addf %add3A_14, %gather3A_20 : vector<16xf32>
    %swap3A_22 = arith.constant 0 : index
    %swap3A_23 = tpu.vector_load %arg10[%swap3A_22] {strides = array<i32>} : memref<16xf32, #tpu.memory_space<vmem>>, vector<16xf32>,
    tpu.vector_store %arg10[%swap3A_22], %add3A_21 {strides = array<i32>} : memref<16xf32, #tpu.memory_space<vmem>>, vector<16xf32>,
    %xor3A_24 = arith.constant 1 : i32
    %xor3A_25 = vector.broadcast %xor3A_24 : i32 to vector<16xi32>
    %xor3A_26 = arith.xori %iota3A, %xor3A_25 : vector<16xi32>
    %gather3A_27 = tpu.vector_load_idx %arg10[%xor3A_26] : memref<16xf32, #tpu.memory_space<vmem>>[vector<16xi32>], vector<16xf32>,
    %add3A_28 = arith.addf %add3A_21, %gather3A_27 : vector<16xf32>
    %sub3A = arith.constant 1.000000e+00 : f32
    %sub3A_29 = vector.broadcast %sub3A : f32 to vector<16xf32>
    %sub3A_30 = arith.subf %sub3A_29, %add3A_28 : vector<16xf32>
    %mul3A_31 = arith.constant 1.22070313E-4 : f32
    %mul3A_32 = vector.broadcast %mul3A_31 : f32 to vector<16xf32>
    %mul3A_33 = arith.mulf %add3A_28, %mul3A_32 : vector<16xf32>
    %dma_start3A = arith.constant 0 : i32
    %dma_start3A_34 = tpu.memref_slice %arg6[%dma_start3A] : memref<256xi32, #tpu.memory_space<vmem>> -> memref<8xi32, #tpu.memory_space<vmem>>
    %dma_start3A_35 = arith.constant 0 : i32
    %dma_start3A_36 = arith.constant 0 : i32
    %dma_start3A_37 = tpu.memref_slice %arg2[%dma_start3A_35, %dma_start3A_36] : memref<16384x4096xf32, #tpu.memory_space<hbm>> -> memref<16384x4096xf32, #tpu.memory_space<hbm>>
    tpu.enqueue_indirect_dma source(%dma_start3A_37 : memref<16384x4096xf32, #tpu.memory_space<hbm>>) target(%arg8 : memref<8x4096xf32, #tpu.memory_space<vmem>>) offsets(%dma_start3A_34 : memref<8xi32, #tpu.memory_space<vmem>>) semaphore(%arg11 : memref<!tpu.dma_semaphore, #tpu.memory_space<semaphore_mem>>)
    %dma_start3A_38 = arith.constant 8 : i32
    %dma_start3A_39 = tpu.memref_slice %arg6[%dma_start3A_38] : memref<256xi32, #tpu.memory_space<vmem>> -> memref<8xi32, #tpu.memory_space<vmem>>
    %dma_start3A_40 = arith.constant 0 : i32
    %dma_start3A_41 = arith.constant 0 : i32
    %dma_start3A_42 = tpu.memref_slice %arg2[%dma_start3A_40, %dma_start3A_41] : memref<16384x4096xf32, #tpu.memory_space<hbm>> -> memref<16384x4096xf32, #tpu.memory_space<hbm>>
    tpu.enqueue_indirect_dma source(%dma_start3A_42 : memref<16384x4096xf32, #tpu.memory_space<hbm>>) target(%arg9 : memref<8x4096xf32, #tpu.memory_space<vmem>>) offsets(%dma_start3A_39 : memref<8xi32, #tpu.memory_space<vmem>>) semaphore(%arg12 : memref<!tpu.dma_semaphore, #tpu.memory_space<semaphore_mem>>)
    %broadcast_in_dim3A = arith.constant 0.000000e+00 : f32
    %broadcast_in_dim3A_43 = vector.broadcast %broadcast_in_dim3A : f32 to vector<16xf32>
    %scan3A = arith.constant 0 : i32
    %scan3A_44 = arith.constant 16 : i32
    %scan3A_45 = arith.addi %scan3A, %scan3A_44 : i32
    %scan3A_46 = arith.constant 1 : i32
    %scan3A_47 = scf.for %scan3A_51 = %scan3A to %scan3A_45 step %scan3A_46 iter_args(%scan3A_52 = %broadcast_in_dim3A_43) -> (vector<16xf32>)  : i32 {
      %mul3A_53 = arith.constant 2 : i32
      %mul3A_54 = arith.muli %mul3A_53, %scan3A_51 : i32
      %mul3A_55 = arith.constant 8 : i32
      %mul3A_56 = arith.muli %mul3A_54, %mul3A_55 : i32
      %dma_wait3A = tpu.memref_slice %arg6[%mul3A_56] : memref<256xi32, #tpu.memory_space<vmem>> -> memref<8xi32, #tpu.memory_space<vmem>>
      %dma_wait3A_57 = arith.constant 0 : i32
      %dma_wait3A_58 = arith.constant 0 : i32
      %dma_wait3A_59 = tpu.memref_slice %arg2[%dma_wait3A_57, %dma_wait3A_58] : memref<16384x4096xf32, #tpu.memory_space<hbm>> -> memref<16384x4096xf32, #tpu.memory_space<hbm>>
      tpu.wait_indirect_dma semaphore(%arg11 : memref<!tpu.dma_semaphore, #tpu.memory_space<semaphore_mem>>) src(%dma_wait3A_59 : memref<16384x4096xf32, #tpu.memory_space<hbm>>) dst(%arg8 : memref<8x4096xf32, #tpu.memory_space<vmem>>)
      %broadcast_in_dim3A_60 = arith.constant 0.000000e+00 : f32
      %broadcast_in_dim3A_61 = vector.broadcast %broadcast_in_dim3A_60 : f32 to vector<16xf32>
      %parallel_loop3A = arith.constant 0 : i32
      %parallel_loop3A_62 = arith.constant 2048 : i32
      %parallel_loop3A_63 = arith.constant 2 : i32
      %parallel_loop3A_64:2 = scf.for %parallel_loop3A_94 = %parallel_loop3A to %parallel_loop3A_62 step %parallel_loop3A_63 iter_args(%parallel_loop3A_95 = %scan3A_52, %parallel_loop3A_96 = %broadcast_in_dim3A_61) -> (vector<16xf32>, vector<16xf32>)  : i32 {
        %parallel_loop3A_97 = arith.constant 8 : i32
        %parallel_loop3A_98 = arith.shrui %parallel_loop3A_94, %parallel_loop3A_97 : i32
        %parallel_loop3A_99 = arith.constant 255 : i32
        %parallel_loop3A_100 = arith.andi %parallel_loop3A_94, %parallel_loop3A_99 : i32
        %parallel_loop3A_101 = arith.constant 4 : i32
        %parallel_loop3A_102 = arith.shli %parallel_loop3A_100, %parallel_loop3A_101 : i32
        %parallel_loop3A_103 = arith.index_cast %parallel_loop3A_98 : i32 to index
        %parallel_loop3A_104 = arith.index_cast %parallel_loop3A_102 : i32 to index
        %parallel_loop3A_105 = tpu.vector_load %arg8[%parallel_loop3A_103, %parallel_loop3A_104] {strides = array<i32>} : memref<8x4096xf32, #tpu.memory_space<vmem>>, vector<16xf32>,
        %parallel_loop3A_106 = arith.constant 16 : i32
        %parallel_loop3A_107 = arith.addi %parallel_loop3A_102, %parallel_loop3A_106 : i32
        %parallel_loop3A_108 = arith.index_cast %parallel_loop3A_98 : i32 to index
        %parallel_loop3A_109 = arith.index_cast %parallel_loop3A_107 : i32 to index
        %parallel_loop3A_110 = tpu.vector_load %arg8[%parallel_loop3A_108, %parallel_loop3A_109] {strides = array<i32>} : memref<8x4096xf32, #tpu.memory_space<vmem>>, vector<16xf32>,
        %parallel_loop3A_111 = arith.mulf %parallel_loop3A_105, %sub3A_30 : vector<16xf32>
        %parallel_loop3A_112 = arith.addf %parallel_loop3A_111, %mul3A_33 : vector<16xf32>
        %parallel_loop3A_113 = arith.constant 9.99999997E-7 : f32
        %parallel_loop3A_114 = vector.broadcast %parallel_loop3A_113 : f32 to vector<16xf32>
        %parallel_loop3A_115 = arith.maximumf %parallel_loop3A_112, %parallel_loop3A_114 : vector<16xf32>
        %parallel_loop3A_116 = arith.constant 1.000000e+00 : f32
        %parallel_loop3A_117 = vector.broadcast %parallel_loop3A_116 : f32 to vector<16xf32>
        %parallel_loop3A_118 = arith.minimumf %parallel_loop3A_115, %parallel_loop3A_117 : vector<16xf32>
        %parallel_loop3A_119 = arith.mulf %parallel_loop3A_110, %sub3A_30 : vector<16xf32>
        %parallel_loop3A_120 = arith.addf %parallel_loop3A_119, %mul3A_33 : vector<16xf32>
        %parallel_loop3A_121 = arith.constant 9.99999997E-7 : f32
        %parallel_loop3A_122 = vector.broadcast %parallel_loop3A_121 : f32 to vector<16xf32>
        %parallel_loop3A_123 = arith.maximumf %parallel_loop3A_120, %parallel_loop3A_122 : vector<16xf32>
        %parallel_loop3A_124 = arith.constant 1.000000e+00 : f32
        %parallel_loop3A_125 = vector.broadcast %parallel_loop3A_124 : f32 to vector<16xf32>
        %parallel_loop3A_126 = arith.minimumf %parallel_loop3A_123, %parallel_loop3A_125 : vector<16xf32>
        %parallel_loop3A_127 = arith.addf %parallel_loop3A_95, %parallel_loop3A_118 : vector<16xf32>
        %parallel_loop3A_128 = arith.addf %parallel_loop3A_96, %parallel_loop3A_126 : vector<16xf32>
        scf.yield %parallel_loop3A_127, %parallel_loop3A_128 : vector<16xf32>, vector<16xf32>
      } {sc.loop_unroll_factor = 8 : i64, sc.parallel_access}
      %add3A_65 = arith.addf %parallel_loop3A_64#0, %parallel_loop3A_64#1 : vector<16xf32>
      %add3A_66 = arith.constant 2 : i32
      %add3A_67 = arith.addi %mul3A_54, %add3A_66 : i32
      %lt3A = arith.constant 32 : i32
      %lt3A_68 = arith.cmpi slt, %add3A_67, %lt3A : i32
      %convert_element_type3A = arith.extui %lt3A_68 : i1 to i32
      %cond3A = arith.constant 0 : i32
      %cond3A_69 = arith.cmpi ne, %convert_element_type3A, %cond3A : i32
      scf.if %cond3A_69 {
        %add3A_94 = arith.constant 2 : i32
        %add3A_95 = arith.addi %mul3A_54, %add3A_94 : i32
        %mul3A_96 = arith.constant 8 : i32
        %mul3A_97 = arith.muli %add3A_95, %mul3A_96 : i32
        %dma_start3A_98 = tpu.memref_slice %arg6[%mul3A_97] : memref<256xi32, #tpu.memory_space<vmem>> -> memref<8xi32, #tpu.memory_space<vmem>>
        %dma_start3A_99 = arith.constant 0 : i32
        %dma_start3A_100 = arith.constant 0 : i32
        %dma_start3A_101 = tpu.memref_slice %arg2[%dma_start3A_99, %dma_start3A_100] : memref<16384x4096xf32, #tpu.memory_space<hbm>> -> memref<16384x4096xf32, #tpu.memory_space<hbm>>
        tpu.enqueue_indirect_dma source(%dma_start3A_101 : memref<16384x4096xf32, #tpu.memory_space<hbm>>) target(%arg8 : memref<8x4096xf32, #tpu.memory_space<vmem>>) offsets(%dma_start3A_98 : memref<8xi32, #tpu.memory_space<vmem>>) semaphore(%arg11 : memref<!tpu.dma_semaphore, #tpu.memory_space<semaphore_mem>>)
      } else {
      }
      %mul3A_70 = arith.constant 2 : i32
      %mul3A_71 = arith.muli %mul3A_70, %scan3A_51 : i32
      %add3A_72 = arith.constant 1 : i32
      %add3A_73 = arith.addi %mul3A_71, %add3A_72 : i32
      %mul3A_74 = arith.constant 8 : i32
      %mul3A_75 = arith.muli %add3A_73, %mul3A_74 : i32
      %dma_wait3A_76 = tpu.memref_slice %arg6[%mul3A_75] : memref<256xi32, #tpu.memory_space<vmem>> -> memref<8xi32, #tpu.memory_space<vmem>>
      %dma_wait3A_77 = arith.constant 0 : i32
      %dma_wait3A_78 = arith.constant 0 : i32
      %dma_wait3A_79 = tpu.memref_slice %arg2[%dma_wait3A_77, %dma_wait3A_78] : memref<16384x4096xf32, #tpu.memory_space<hbm>> -> memref<16384x4096xf32, #tpu.memory_space<hbm>>
      tpu.wait_indirect_dma semaphore(%arg12 : memref<!tpu.dma_semaphore, #tpu.memory_space<semaphore_mem>>) src(%dma_wait3A_79 : memref<16384x4096xf32, #tpu.memory_space<hbm>>) dst(%arg9 : memref<8x4096xf32, #tpu.memory_space<vmem>>)
      %broadcast_in_dim3A_80 = arith.constant 0.000000e+00 : f32
      %broadcast_in_dim3A_81 = vector.broadcast %broadcast_in_dim3A_80 : f32 to vector<16xf32>
      %parallel_loop3A_82 = arith.constant 0 : i32
      %parallel_loop3A_83 = arith.constant 2048 : i32
      %parallel_loop3A_84 = arith.constant 2 : i32
      %parallel_loop3A_85:2 = scf.for %parallel_loop3A_94 = %parallel_loop3A_82 to %parallel_loop3A_83 step %parallel_loop3A_84 iter_args(%parallel_loop3A_95 = %add3A_65, %parallel_loop3A_96 = %broadcast_in_dim3A_81) -> (vector<16xf32>, vector<16xf32>)  : i32 {
        %parallel_loop3A_97 = arith.constant 8 : i32
        %parallel_loop3A_98 = arith.shrui %parallel_loop3A_94, %parallel_loop3A_97 : i32
        %parallel_loop3A_99 = arith.constant 255 : i32
        %parallel_loop3A_100 = arith.andi %parallel_loop3A_94, %parallel_loop3A_99 : i32
        %parallel_loop3A_101 = arith.constant 4 : i32
        %parallel_loop3A_102 = arith.shli %parallel_loop3A_100, %parallel_loop3A_101 : i32
        %parallel_loop3A_103 = arith.index_cast %parallel_loop3A_98 : i32 to index
        %parallel_loop3A_104 = arith.index_cast %parallel_loop3A_102 : i32 to index
        %parallel_loop3A_105 = tpu.vector_load %arg9[%parallel_loop3A_103, %parallel_loop3A_104] {strides = array<i32>} : memref<8x4096xf32, #tpu.memory_space<vmem>>, vector<16xf32>,
        %parallel_loop3A_106 = arith.constant 16 : i32
        %parallel_loop3A_107 = arith.addi %parallel_loop3A_102, %parallel_loop3A_106 : i32
        %parallel_loop3A_108 = arith.index_cast %parallel_loop3A_98 : i32 to index
        %parallel_loop3A_109 = arith.index_cast %parallel_loop3A_107 : i32 to index
        %parallel_loop3A_110 = tpu.vector_load %arg9[%parallel_loop3A_108, %parallel_loop3A_109] {strides = array<i32>} : memref<8x4096xf32, #tpu.memory_space<vmem>>, vector<16xf32>,
        %parallel_loop3A_111 = arith.mulf %parallel_loop3A_105, %sub3A_30 : vector<16xf32>
        %parallel_loop3A_112 = arith.addf %parallel_loop3A_111, %mul3A_33 : vector<16xf32>
        %parallel_loop3A_113 = arith.constant 9.99999997E-7 : f32
        %parallel_loop3A_114 = vector.broadcast %parallel_loop3A_113 : f32 to vector<16xf32>
        %parallel_loop3A_115 = arith.maximumf %parallel_loop3A_112, %parallel_loop3A_114 : vector<16xf32>
        %parallel_loop3A_116 = arith.constant 1.000000e+00 : f32
        %parallel_loop3A_117 = vector.broadcast %parallel_loop3A_116 : f32 to vector<16xf32>
        %parallel_loop3A_118 = arith.minimumf %parallel_loop3A_115, %parallel_loop3A_117 : vector<16xf32>
        %parallel_loop3A_119 = arith.mulf %parallel_loop3A_110, %sub3A_30 : vector<16xf32>
        %parallel_loop3A_120 = arith.addf %parallel_loop3A_119, %mul3A_33 : vector<16xf32>
        %parallel_loop3A_121 = arith.constant 9.99999997E-7 : f32
        %parallel_loop3A_122 = vector.broadcast %parallel_loop3A_121 : f32 to vector<16xf32>
        %parallel_loop3A_123 = arith.maximumf %parallel_loop3A_120, %parallel_loop3A_122 : vector<16xf32>
        %parallel_loop3A_124 = arith.constant 1.000000e+00 : f32
        %parallel_loop3A_125 = vector.broadcast %parallel_loop3A_124 : f32 to vector<16xf32>
        %parallel_loop3A_126 = arith.minimumf %parallel_loop3A_123, %parallel_loop3A_125 : vector<16xf32>
        %parallel_loop3A_127 = arith.addf %parallel_loop3A_95, %parallel_loop3A_118 : vector<16xf32>
        %parallel_loop3A_128 = arith.addf %parallel_loop3A_96, %parallel_loop3A_126 : vector<16xf32>
        scf.yield %parallel_loop3A_127, %parallel_loop3A_128 : vector<16xf32>, vector<16xf32>
      } {sc.loop_unroll_factor = 8 : i64, sc.parallel_access}
      %add3A_86 = arith.addf %parallel_loop3A_85#0, %parallel_loop3A_85#1 : vector<16xf32>
      %add3A_87 = arith.constant 2 : i32
      %add3A_88 = arith.addi %add3A_73, %add3A_87 : i32
      %lt3A_89 = arith.constant 32 : i32
      %lt3A_90 = arith.cmpi slt, %add3A_88, %lt3A_89 : i32
      %convert_element_type3A_91 = arith.extui %lt3A_90 : i1 to i32
      %cond3A_92 = arith.constant 0 : i32
      %cond3A_93 = arith.cmpi ne, %convert_element_type3A_91, %cond3A_92 : i32
      scf.if %cond3A_93 {
        %add3A_94 = arith.constant 2 : i32
        %add3A_95 = arith.addi %add3A_73, %add3A_94 : i32
        %mul3A_96 = arith.constant 8 : i32
        %mul3A_97 = arith.muli %add3A_95, %mul3A_96 : i32
        %dma_start3A_98 = tpu.memref_slice %arg6[%mul3A_97] : memref<256xi32, #tpu.memory_space<vmem>> -> memref<8xi32, #tpu.memory_space<vmem>>
        %dma_start3A_99 = arith.constant 0 : i32
        %dma_start3A_100 = arith.constant 0 : i32
        %dma_start3A_101 = tpu.memref_slice %arg2[%dma_start3A_99, %dma_start3A_100] : memref<16384x4096xf32, #tpu.memory_space<hbm>> -> memref<16384x4096xf32, #tpu.memory_space<hbm>>
        tpu.enqueue_indirect_dma source(%dma_start3A_101 : memref<16384x4096xf32, #tpu.memory_space<hbm>>) target(%arg9 : memref<8x4096xf32, #tpu.memory_space<vmem>>) offsets(%dma_start3A_98 : memref<8xi32, #tpu.memory_space<vmem>>) semaphore(%arg12 : memref<!tpu.dma_semaphore, #tpu.memory_space<semaphore_mem>>)
      } else {
      }
      scf.yield %add3A_86 : vector<16xf32>
    }
    %scan3A_48 = arith.constant 16 : i32
    %swap3A_49 = arith.constant 0 : index
    %swap3A_50 = tpu.vector_load %arg10[%swap3A_49] {strides = array<i32>} : memref<16xf32, #tpu.memory_space<vmem>>, vector<16xf32>,
    tpu.vector_store %arg10[%swap3A_49], %scan3A_47 {strides = array<i32>} : memref<16xf32, #tpu.memory_space<vmem>>, vector<16xf32>,
    "tpu.region"() ({
      %run_scoped3A = tpu.sem_alloc : memref<!tpu.dma_semaphore, #tpu.memory_space<semaphore_mem>>
      %dma_start3A_51 = arith.constant 0 : i32
      %dma_start3A_52 = tpu.memref_slice %arg5[%add3A, %dma_start3A_51] : memref<32x16xf32, #tpu.memory_space<hbm>> -> memref<1x16xf32, #tpu.memory_space<hbm>>
      %dma_start3A_53 = tpu.memref_squeeze %dma_start3A_52 : memref<1x16xf32, #tpu.memory_space<hbm>> -> memref<16xf32, #tpu.memory_space<hbm>>
      %dma_start3A_54 = arith.constant 0 : i32
      %dma_start3A_55 = tpu.memref_slice %arg5[%add3A, %dma_start3A_54] : memref<32x16xf32, #tpu.memory_space<hbm>> -> memref<1x16xf32, #tpu.memory_space<hbm>>
      %dma_start3A_56 = tpu.memref_squeeze %dma_start3A_55 : memref<1x16xf32, #tpu.memory_space<hbm>> -> memref<16xf32, #tpu.memory_space<hbm>>
      tpu.enqueue_dma source(%arg10 : memref<16xf32, #tpu.memory_space<vmem>>) target(%dma_start3A_56 : memref<16xf32, #tpu.memory_space<hbm>>) target_semaphore(%run_scoped3A : memref<!tpu.dma_semaphore, #tpu.memory_space<semaphore_mem>>)
      %dma_wait3A = arith.constant 0 : i32
      %dma_wait3A_57 = tpu.memref_slice %arg5[%add3A, %dma_wait3A] : memref<32x16xf32, #tpu.memory_space<hbm>> -> memref<1x16xf32, #tpu.memory_space<hbm>>
      %dma_wait3A_58 = tpu.memref_squeeze %dma_wait3A_57 : memref<1x16xf32, #tpu.memory_space<hbm>> -> memref<16xf32, #tpu.memory_space<hbm>>
      %dma_wait3A_59 = arith.constant 0 : i32
      %dma_wait3A_60 = tpu.memref_slice %arg5[%add3A, %dma_wait3A_59] : memref<32x16xf32, #tpu.memory_space<hbm>> -> memref<1x16xf32, #tpu.memory_space<hbm>>
      %dma_wait3A_61 = tpu.memref_squeeze %dma_wait3A_60 : memref<1x16xf32, #tpu.memory_space<hbm>> -> memref<16xf32, #tpu.memory_space<hbm>>
      tpu.wait_dma2 semaphore(%run_scoped3A : memref<!tpu.dma_semaphore, #tpu.memory_space<semaphore_mem>>) src(%arg10 : memref<16xf32, #tpu.memory_space<vmem>>) dst(%dma_wait3A_61 : memref<16xf32, #tpu.memory_space<hbm>>)
      tpu.yield
    }) : () -> ()
    return
  }
}

#map = affine_map<(d0, d1) -> (0, 0)>
#map1 = affine_map<(d0, d1) -> (0)>
module attributes {stable_mosaic.version = 14 : i64} {
  func.func @body(%arg0: i32, %arg1: i32, %arg2: memref<16384x4096xf32, #tpu.memory_space<hbm>>, %arg3: memref<8192xi32, #tpu.memory_space<hbm>>, %arg4: memref<16xf32, #tpu.memory_space<hbm>>, %arg5: memref<32x16xf32, #tpu.memory_space<hbm>>, %arg6: memref<8192x4096xf32, #tpu.memory_space<hbm>>, %arg7: memref<256xi32, #tpu.memory_space<vmem>>, %arg8: memref<16xf32, #tpu.memory_space<vmem>>, %arg9: memref<32x16xf32, #tpu.memory_space<vmem>>, %arg10: memref<16xf32, #tpu.memory_space<vmem>>, %arg11: memref<8x4096xf32, #tpu.memory_space<vmem>>, %arg12: memref<8x4096xf32, #tpu.memory_space<vmem>>, %arg13: memref<8x4096xf32, #tpu.memory_space<vmem>>, %arg14: memref<!tpu.dma_semaphore, #tpu.memory_space<semaphore_mem>>, %arg15: memref<!tpu.dma_semaphore, #tpu.memory_space<semaphore_mem>>, %arg16: memref<!tpu.dma_semaphore, #tpu.memory_space<semaphore_mem>>, %arg17: memref<!tpu.dma_semaphore, #tpu.memory_space<semaphore_mem>>, %arg18: memref<!tpu.dma_semaphore, #tpu.memory_space<semaphore_mem>>, %arg19: memref<!tpu.dma_semaphore, #tpu.memory_space<semaphore_mem>>) attributes {dimension_semantics = [#tpu.dimension_semantics<core_parallel>, #tpu.dimension_semantics<subcore_parallel>], iteration_bounds = array<i64: 2, 16>, scalar_prefetch = 0 : i64, scratch_operands = 13 : i64, tpu.core_type = #tpu.core_type<sc_vector_subcore>, window_params = [{transform_indices = #map}, {transform_indices = #map1}, {transform_indices = #map1}, {transform_indices = #map}, {transform_indices = #map}]} {
    %mul3A = arith.constant 2 : i32
    %mul3A_0 = arith.muli %arg1, %mul3A : i32
    %add3A = arith.addi %mul3A_0, %arg0 : i32
    %mul3A_1 = arith.constant 256 : i32
    %mul3A_2 = arith.muli %add3A, %mul3A_1 : i32
    "tpu.region"() ({
      %run_scoped3A = tpu.sem_alloc : memref<!tpu.dma_semaphore, #tpu.memory_space<semaphore_mem>>
      %dma_start3A_114 = tpu.memref_slice %arg3[%mul3A_2] : memref<8192xi32, #tpu.memory_space<hbm>> -> memref<256xi32, #tpu.memory_space<hbm>>
      %dma_start3A_115 = tpu.memref_slice %arg3[%mul3A_2] : memref<8192xi32, #tpu.memory_space<hbm>> -> memref<256xi32, #tpu.memory_space<hbm>>
      tpu.enqueue_dma source(%dma_start3A_115 : memref<256xi32, #tpu.memory_space<hbm>>) target(%arg7 : memref<256xi32, #tpu.memory_space<vmem>>) target_semaphore(%run_scoped3A : memref<!tpu.dma_semaphore, #tpu.memory_space<semaphore_mem>>)
      %dma_wait3A_116 = tpu.memref_slice %arg3[%mul3A_2] : memref<8192xi32, #tpu.memory_space<hbm>> -> memref<256xi32, #tpu.memory_space<hbm>>
      %dma_wait3A_117 = tpu.memref_slice %arg3[%mul3A_2] : memref<8192xi32, #tpu.memory_space<hbm>> -> memref<256xi32, #tpu.memory_space<hbm>>
      tpu.wait_dma2 semaphore(%run_scoped3A : memref<!tpu.dma_semaphore, #tpu.memory_space<semaphore_mem>>) src(%dma_wait3A_117 : memref<256xi32, #tpu.memory_space<hbm>>) dst(%arg7 : memref<256xi32, #tpu.memory_space<vmem>>)
      tpu.yield
    }) : () -> ()
    "tpu.region"() ({
      %run_scoped3A = tpu.sem_alloc : memref<!tpu.dma_semaphore, #tpu.memory_space<semaphore_mem>>
      tpu.enqueue_dma source(%arg4 : memref<16xf32, #tpu.memory_space<hbm>>) target(%arg8 : memref<16xf32, #tpu.memory_space<vmem>>) target_semaphore(%run_scoped3A : memref<!tpu.dma_semaphore, #tpu.memory_space<semaphore_mem>>)
      tpu.wait_dma2 semaphore(%run_scoped3A : memref<!tpu.dma_semaphore, #tpu.memory_space<semaphore_mem>>) src(%arg4 : memref<16xf32, #tpu.memory_space<hbm>>) dst(%arg8 : memref<16xf32, #tpu.memory_space<vmem>>)
      tpu.yield
    }) : () -> ()
    "tpu.region"() ({
      %run_scoped3A = tpu.sem_alloc : memref<!tpu.dma_semaphore, #tpu.memory_space<semaphore_mem>>
      tpu.enqueue_dma source(%arg5 : memref<32x16xf32, #tpu.memory_space<hbm>>) target(%arg9 : memref<32x16xf32, #tpu.memory_space<vmem>>) target_semaphore(%run_scoped3A : memref<!tpu.dma_semaphore, #tpu.memory_space<semaphore_mem>>)
      tpu.wait_dma2 semaphore(%run_scoped3A : memref<!tpu.dma_semaphore, #tpu.memory_space<semaphore_mem>>) src(%arg5 : memref<32x16xf32, #tpu.memory_space<hbm>>) dst(%arg9 : memref<32x16xf32, #tpu.memory_space<vmem>>)
      tpu.yield
    }) : () -> ()
    %get3A = arith.constant 0 : index
    %get3A_3 = tpu.vector_load %arg8[%get3A] {strides = array<i32>} : memref<16xf32, #tpu.memory_space<vmem>>, vector<16xf32>,
    %iota3A = tpu.iota {dimensions = array<i32: 0>} : vector<16xi32>
    %swap3A = arith.constant 0 : index
    %swap3A_4 = tpu.vector_load %arg10[%swap3A] {strides = array<i32>} : memref<16xf32, #tpu.memory_space<vmem>>, vector<16xf32>,
    tpu.vector_store %arg10[%swap3A], %get3A_3 {strides = array<i32>} : memref<16xf32, #tpu.memory_space<vmem>>, vector<16xf32>,
    %xor3A = arith.constant 8 : i32
    %xor3A_5 = vector.broadcast %xor3A : i32 to vector<16xi32>
    %xor3A_6 = arith.xori %iota3A, %xor3A_5 : vector<16xi32>
    %gather3A = tpu.vector_load_idx %arg10[%xor3A_6] : memref<16xf32, #tpu.memory_space<vmem>>[vector<16xi32>], vector<16xf32>,
    %add3A_7 = arith.addf %get3A_3, %gather3A : vector<16xf32>
    %swap3A_8 = arith.constant 0 : index
    %swap3A_9 = tpu.vector_load %arg10[%swap3A_8] {strides = array<i32>} : memref<16xf32, #tpu.memory_space<vmem>>, vector<16xf32>,
    tpu.vector_store %arg10[%swap3A_8], %add3A_7 {strides = array<i32>} : memref<16xf32, #tpu.memory_space<vmem>>, vector<16xf32>,
    %xor3A_10 = arith.constant 4 : i32
    %xor3A_11 = vector.broadcast %xor3A_10 : i32 to vector<16xi32>
    %xor3A_12 = arith.xori %iota3A, %xor3A_11 : vector<16xi32>
    %gather3A_13 = tpu.vector_load_idx %arg10[%xor3A_12] : memref<16xf32, #tpu.memory_space<vmem>>[vector<16xi32>], vector<16xf32>,
    %add3A_14 = arith.addf %add3A_7, %gather3A_13 : vector<16xf32>
    %swap3A_15 = arith.constant 0 : index
    %swap3A_16 = tpu.vector_load %arg10[%swap3A_15] {strides = array<i32>} : memref<16xf32, #tpu.memory_space<vmem>>, vector<16xf32>,
    tpu.vector_store %arg10[%swap3A_15], %add3A_14 {strides = array<i32>} : memref<16xf32, #tpu.memory_space<vmem>>, vector<16xf32>,
    %xor3A_17 = arith.constant 2 : i32
    %xor3A_18 = vector.broadcast %xor3A_17 : i32 to vector<16xi32>
    %xor3A_19 = arith.xori %iota3A, %xor3A_18 : vector<16xi32>
    %gather3A_20 = tpu.vector_load_idx %arg10[%xor3A_19] : memref<16xf32, #tpu.memory_space<vmem>>[vector<16xi32>], vector<16xf32>,
    %add3A_21 = arith.addf %add3A_14, %gather3A_20 : vector<16xf32>
    %swap3A_22 = arith.constant 0 : index
    %swap3A_23 = tpu.vector_load %arg10[%swap3A_22] {strides = array<i32>} : memref<16xf32, #tpu.memory_space<vmem>>, vector<16xf32>,
    tpu.vector_store %arg10[%swap3A_22], %add3A_21 {strides = array<i32>} : memref<16xf32, #tpu.memory_space<vmem>>, vector<16xf32>,
    %xor3A_24 = arith.constant 1 : i32
    %xor3A_25 = vector.broadcast %xor3A_24 : i32 to vector<16xi32>
    %xor3A_26 = arith.xori %iota3A, %xor3A_25 : vector<16xi32>
    %gather3A_27 = tpu.vector_load_idx %arg10[%xor3A_26] : memref<16xf32, #tpu.memory_space<vmem>>[vector<16xi32>], vector<16xf32>,
    %add3A_28 = arith.addf %add3A_21, %gather3A_27 : vector<16xf32>
    %sub3A = arith.constant 1.000000e+00 : f32
    %sub3A_29 = vector.broadcast %sub3A : f32 to vector<16xf32>
    %sub3A_30 = arith.subf %sub3A_29, %add3A_28 : vector<16xf32>
    %mul3A_31 = arith.constant 1.22070313E-4 : f32
    %mul3A_32 = vector.broadcast %mul3A_31 : f32 to vector<16xf32>
    %mul3A_33 = arith.mulf %add3A_28, %mul3A_32 : vector<16xf32>
    %broadcast_in_dim3A = arith.constant 0.000000e+00 : f32
    %broadcast_in_dim3A_34 = vector.broadcast %broadcast_in_dim3A : f32 to vector<16xf32>
    %scan3A = arith.constant 0 : i32
    %scan3A_35 = arith.constant 32 : i32
    %scan3A_36 = arith.addi %scan3A, %scan3A_35 : i32
    %scan3A_37 = arith.constant 1 : i32
    %scan3A_38 = scf.for %scan3A_114 = %scan3A to %scan3A_36 step %scan3A_37 iter_args(%scan3A_115 = %broadcast_in_dim3A_34) -> (vector<16xf32>)  : i32 {
      %get3A_116 = arith.index_cast %scan3A_114 : i32 to index
      %get3A_117 = arith.constant 0 : index
      %get3A_118 = tpu.vector_load %arg9[%get3A_116, %get3A_117] {strides = array<i32>} : memref<32x16xf32, #tpu.memory_space<vmem>>, vector<16xf32>,
      %add3A_119 = arith.addf %scan3A_115, %get3A_118 : vector<16xf32>
      scf.yield %add3A_119 : vector<16xf32>
    }
    %scan3A_39 = arith.constant 32 : i32
    %iota3A_40 = tpu.iota {dimensions = array<i32: 0>} : vector<16xi32>
    %swap3A_41 = arith.constant 0 : index
    %swap3A_42 = tpu.vector_load %arg10[%swap3A_41] {strides = array<i32>} : memref<16xf32, #tpu.memory_space<vmem>>, vector<16xf32>,
    tpu.vector_store %arg10[%swap3A_41], %scan3A_38 {strides = array<i32>} : memref<16xf32, #tpu.memory_space<vmem>>, vector<16xf32>,
    %xor3A_43 = arith.constant 8 : i32
    %xor3A_44 = vector.broadcast %xor3A_43 : i32 to vector<16xi32>
    %xor3A_45 = arith.xori %iota3A_40, %xor3A_44 : vector<16xi32>
    %gather3A_46 = tpu.vector_load_idx %arg10[%xor3A_45] : memref<16xf32, #tpu.memory_space<vmem>>[vector<16xi32>], vector<16xf32>,
    %add3A_47 = arith.addf %scan3A_38, %gather3A_46 : vector<16xf32>
    %swap3A_48 = arith.constant 0 : index
    %swap3A_49 = tpu.vector_load %arg10[%swap3A_48] {strides = array<i32>} : memref<16xf32, #tpu.memory_space<vmem>>, vector<16xf32>,
    tpu.vector_store %arg10[%swap3A_48], %add3A_47 {strides = array<i32>} : memref<16xf32, #tpu.memory_space<vmem>>, vector<16xf32>,
    %xor3A_50 = arith.constant 4 : i32
    %xor3A_51 = vector.broadcast %xor3A_50 : i32 to vector<16xi32>
    %xor3A_52 = arith.xori %iota3A_40, %xor3A_51 : vector<16xi32>
    %gather3A_53 = tpu.vector_load_idx %arg10[%xor3A_52] : memref<16xf32, #tpu.memory_space<vmem>>[vector<16xi32>], vector<16xf32>,
    %add3A_54 = arith.addf %add3A_47, %gather3A_53 : vector<16xf32>
    %swap3A_55 = arith.constant 0 : index
    %swap3A_56 = tpu.vector_load %arg10[%swap3A_55] {strides = array<i32>} : memref<16xf32, #tpu.memory_space<vmem>>, vector<16xf32>,
    tpu.vector_store %arg10[%swap3A_55], %add3A_54 {strides = array<i32>} : memref<16xf32, #tpu.memory_space<vmem>>, vector<16xf32>,
    %xor3A_57 = arith.constant 2 : i32
    %xor3A_58 = vector.broadcast %xor3A_57 : i32 to vector<16xi32>
    %xor3A_59 = arith.xori %iota3A_40, %xor3A_58 : vector<16xi32>
    %gather3A_60 = tpu.vector_load_idx %arg10[%xor3A_59] : memref<16xf32, #tpu.memory_space<vmem>>[vector<16xi32>], vector<16xf32>,
    %add3A_61 = arith.addf %add3A_54, %gather3A_60 : vector<16xf32>
    %swap3A_62 = arith.constant 0 : index
    %swap3A_63 = tpu.vector_load %arg10[%swap3A_62] {strides = array<i32>} : memref<16xf32, #tpu.memory_space<vmem>>, vector<16xf32>,
    tpu.vector_store %arg10[%swap3A_62], %add3A_61 {strides = array<i32>} : memref<16xf32, #tpu.memory_space<vmem>>, vector<16xf32>,
    %xor3A_64 = arith.constant 1 : i32
    %xor3A_65 = vector.broadcast %xor3A_64 : i32 to vector<16xi32>
    %xor3A_66 = arith.xori %iota3A_40, %xor3A_65 : vector<16xi32>
    %gather3A_67 = tpu.vector_load_idx %arg10[%xor3A_66] : memref<16xf32, #tpu.memory_space<vmem>>[vector<16xi32>], vector<16xf32>,
    %add3A_68 = arith.addf %add3A_61, %gather3A_67 : vector<16xf32>
    %div3A = arith.constant 1.000000e+00 : f32
    %div3A_69 = vector.broadcast %div3A : f32 to vector<16xf32>
    %div3A_70 = arith.divf %div3A_69, %add3A_68 : vector<16xf32>
    %mul3A_71 = arith.mulf %sub3A_30, %div3A_70 : vector<16xf32>
    %mul3A_72 = arith.mulf %mul3A_33, %div3A_70 : vector<16xf32>
    %mul3A_73 = arith.constant 9.99999997E-7 : f32
    %mul3A_74 = vector.broadcast %mul3A_73 : f32 to vector<16xf32>
    %mul3A_75 = arith.mulf %mul3A_74, %div3A_70 : vector<16xf32>
    %dma_start3A = arith.constant 0 : i32
    %dma_start3A_76 = tpu.memref_slice %arg7[%dma_start3A] : memref<256xi32, #tpu.memory_space<vmem>> -> memref<8xi32, #tpu.memory_space<vmem>>
    %dma_start3A_77 = arith.constant 0 : i32
    %dma_start3A_78 = arith.constant 0 : i32
    %dma_start3A_79 = tpu.memref_slice %arg2[%dma_start3A_77, %dma_start3A_78] : memref<16384x4096xf32, #tpu.memory_space<hbm>> -> memref<16384x4096xf32, #tpu.memory_space<hbm>>
    tpu.enqueue_indirect_dma source(%dma_start3A_79 : memref<16384x4096xf32, #tpu.memory_space<hbm>>) target(%arg11 : memref<8x4096xf32, #tpu.memory_space<vmem>>) offsets(%dma_start3A_76 : memref<8xi32, #tpu.memory_space<vmem>>) semaphore(%arg14 : memref<!tpu.dma_semaphore, #tpu.memory_space<semaphore_mem>>)
    %dma_start3A_80 = arith.constant 8 : i32
    %dma_start3A_81 = tpu.memref_slice %arg7[%dma_start3A_80] : memref<256xi32, #tpu.memory_space<vmem>> -> memref<8xi32, #tpu.memory_space<vmem>>
    %dma_start3A_82 = arith.constant 0 : i32
    %dma_start3A_83 = arith.constant 0 : i32
    %dma_start3A_84 = tpu.memref_slice %arg2[%dma_start3A_82, %dma_start3A_83] : memref<16384x4096xf32, #tpu.memory_space<hbm>> -> memref<16384x4096xf32, #tpu.memory_space<hbm>>
    tpu.enqueue_indirect_dma source(%dma_start3A_84 : memref<16384x4096xf32, #tpu.memory_space<hbm>>) target(%arg12 : memref<8x4096xf32, #tpu.memory_space<vmem>>) offsets(%dma_start3A_81 : memref<8xi32, #tpu.memory_space<vmem>>) semaphore(%arg15 : memref<!tpu.dma_semaphore, #tpu.memory_space<semaphore_mem>>)
    %dma_start3A_85 = arith.constant 16 : i32
    %dma_start3A_86 = tpu.memref_slice %arg7[%dma_start3A_85] : memref<256xi32, #tpu.memory_space<vmem>> -> memref<8xi32, #tpu.memory_space<vmem>>
    %dma_start3A_87 = arith.constant 0 : i32
    %dma_start3A_88 = arith.constant 0 : i32
    %dma_start3A_89 = tpu.memref_slice %arg2[%dma_start3A_87, %dma_start3A_88] : memref<16384x4096xf32, #tpu.memory_space<hbm>> -> memref<16384x4096xf32, #tpu.memory_space<hbm>>
    tpu.enqueue_indirect_dma source(%dma_start3A_89 : memref<16384x4096xf32, #tpu.memory_space<hbm>>) target(%arg13 : memref<8x4096xf32, #tpu.memory_space<vmem>>) offsets(%dma_start3A_86 : memref<8xi32, #tpu.memory_space<vmem>>) semaphore(%arg16 : memref<!tpu.dma_semaphore, #tpu.memory_space<semaphore_mem>>)
    %scan3A_90 = arith.constant 0 : i32
    %scan3A_91 = arith.constant 0 : i32
    %scan3A_92 = arith.constant 11 : i32
    %scan3A_93 = arith.addi %scan3A_91, %scan3A_92 : i32
    %scan3A_94 = arith.constant 1 : i32
    %scan3A_95 = scf.for %scan3A_114 = %scan3A_91 to %scan3A_93 step %scan3A_94 iter_args(%scan3A_115 = %scan3A_90) -> (i32)  : i32 {
      %mul3A_116 = arith.constant 3 : i32
      %mul3A_117 = arith.muli %mul3A_116, %scan3A_114 : i32
      %add3A_118 = arith.constant 0 : i32
      %add3A_119 = arith.addi %mul3A_117, %add3A_118 : i32
      %lt3A = arith.constant 32 : i32
      %lt3A_120 = arith.cmpi slt, %add3A_119, %lt3A : i32
      %convert_element_type3A = arith.extui %lt3A_120 : i1 to i32
      %cond3A = arith.constant 0 : i32
      %cond3A_121 = arith.cmpi ne, %convert_element_type3A, %cond3A : i32
      scf.if %cond3A_121 {
        %mul3A_141 = arith.constant 8 : i32
        %mul3A_142 = arith.muli %add3A_119, %mul3A_141 : i32
        %dma_wait3A_143 = tpu.memref_slice %arg7[%mul3A_142] : memref<256xi32, #tpu.memory_space<vmem>> -> memref<8xi32, #tpu.memory_space<vmem>>
        %dma_wait3A_144 = arith.constant 0 : i32
        %dma_wait3A_145 = arith.constant 0 : i32
        %dma_wait3A_146 = tpu.memref_slice %arg2[%dma_wait3A_144, %dma_wait3A_145] : memref<16384x4096xf32, #tpu.memory_space<hbm>> -> memref<16384x4096xf32, #tpu.memory_space<hbm>>
        tpu.wait_indirect_dma semaphore(%arg14 : memref<!tpu.dma_semaphore, #tpu.memory_space<semaphore_mem>>) src(%dma_wait3A_146 : memref<16384x4096xf32, #tpu.memory_space<hbm>>) dst(%arg11 : memref<8x4096xf32, #tpu.memory_space<vmem>>)
        %parallel_loop3A = arith.constant 0 : i32
        %parallel_loop3A_147 = arith.constant 2048 : i32
        %parallel_loop3A_148 = arith.constant 1 : i32
        scf.for %parallel_loop3A_167 = %parallel_loop3A to %parallel_loop3A_147 step %parallel_loop3A_148  : i32 {
          %parallel_loop3A_168 = arith.constant 8 : i32
          %parallel_loop3A_169 = arith.shrui %parallel_loop3A_167, %parallel_loop3A_168 : i32
          %parallel_loop3A_170 = arith.constant 255 : i32
          %parallel_loop3A_171 = arith.andi %parallel_loop3A_167, %parallel_loop3A_170 : i32
          %parallel_loop3A_172 = arith.constant 4 : i32
          %parallel_loop3A_173 = arith.shli %parallel_loop3A_171, %parallel_loop3A_172 : i32
          %parallel_loop3A_174 = arith.index_cast %parallel_loop3A_169 : i32 to index
          %parallel_loop3A_175 = arith.index_cast %parallel_loop3A_173 : i32 to index
          %parallel_loop3A_176 = tpu.vector_load %arg11[%parallel_loop3A_174, %parallel_loop3A_175] {strides = array<i32>} : memref<8x4096xf32, #tpu.memory_space<vmem>>, vector<16xf32>,
          %parallel_loop3A_177 = arith.mulf %parallel_loop3A_176, %mul3A_71 : vector<16xf32>
          %parallel_loop3A_178 = arith.addf %parallel_loop3A_177, %mul3A_72 : vector<16xf32>
          %parallel_loop3A_179 = arith.maximumf %parallel_loop3A_178, %mul3A_75 : vector<16xf32>
          %parallel_loop3A_180 = arith.minimumf %parallel_loop3A_179, %div3A_70 : vector<16xf32>
          %parallel_loop3A_181 = arith.index_cast %parallel_loop3A_169 : i32 to index
          %parallel_loop3A_182 = arith.index_cast %parallel_loop3A_173 : i32 to index
          %parallel_loop3A_183 = tpu.vector_load %arg11[%parallel_loop3A_181, %parallel_loop3A_182] {strides = array<i32>} : memref<8x4096xf32, #tpu.memory_space<vmem>>, vector<16xf32>,
          tpu.vector_store %arg11[%parallel_loop3A_181, %parallel_loop3A_182], %parallel_loop3A_180 {strides = array<i32>} : memref<8x4096xf32, #tpu.memory_space<vmem>>, vector<16xf32>,
        } {sc.loop_unroll_factor = 8 : i64, sc.parallel_access}
        %mul3A_149 = arith.constant 8 : i32
        %mul3A_150 = arith.muli %add3A_119, %mul3A_149 : i32
        %add3A_151 = arith.addi %mul3A_2, %mul3A_150 : i32
        %dma_start3A_152 = arith.constant 0 : i32
        %dma_start3A_153 = tpu.memref_slice %arg6[%add3A_151, %dma_start3A_152] : memref<8192x4096xf32, #tpu.memory_space<hbm>> -> memref<8x4096xf32, #tpu.memory_space<hbm>>
        %dma_start3A_154 = arith.constant 0 : i32
        %dma_start3A_155 = tpu.memref_slice %arg6[%add3A_151, %dma_start3A_154] : memref<8192x4096xf32, #tpu.memory_space<hbm>> -> memref<8x4096xf32, #tpu.memory_space<hbm>>
        tpu.enqueue_dma source(%arg11 : memref<8x4096xf32, #tpu.memory_space<vmem>>) target(%dma_start3A_155 : memref<8x4096xf32, #tpu.memory_space<hbm>>) target_semaphore(%arg17 : memref<!tpu.dma_semaphore, #tpu.memory_space<semaphore_mem>>)
        %ge3A = arith.constant 3 : i32
        %ge3A_156 = arith.cmpi sge, %add3A_119, %ge3A : i32
        %convert_element_type3A_157 = arith.extui %ge3A_156 : i1 to i32
        %cond3A_158 = arith.constant 0 : i32
        %cond3A_159 = arith.cmpi ne, %convert_element_type3A_157, %cond3A_158 : i32
        scf.if %cond3A_159 {
          %sub3A_167 = arith.constant 3 : i32
          %sub3A_168 = arith.subi %add3A_119, %sub3A_167 : i32
          %mul3A_169 = arith.constant 8 : i32
          %mul3A_170 = arith.muli %sub3A_168, %mul3A_169 : i32
          %add3A_171 = arith.addi %mul3A_2, %mul3A_170 : i32
          %dma_wait3A_172 = arith.constant 0 : i32
          %dma_wait3A_173 = tpu.memref_slice %arg6[%add3A_171, %dma_wait3A_172] : memref<8192x4096xf32, #tpu.memory_space<hbm>> -> memref<8x4096xf32, #tpu.memory_space<hbm>>
          %dma_wait3A_174 = arith.constant 0 : i32
          %dma_wait3A_175 = tpu.memref_slice %arg6[%add3A_171, %dma_wait3A_174] : memref<8192x4096xf32, #tpu.memory_space<hbm>> -> memref<8x4096xf32, #tpu.memory_space<hbm>>
          tpu.wait_dma2 semaphore(%arg17 : memref<!tpu.dma_semaphore, #tpu.memory_space<semaphore_mem>>) src(%arg11 : memref<8x4096xf32, #tpu.memory_space<vmem>>) dst(%dma_wait3A_175 : memref<8x4096xf32, #tpu.memory_space<hbm>>)
        } else {
        }
        %add3A_160 = arith.constant 3 : i32
        %add3A_161 = arith.addi %add3A_119, %add3A_160 : i32
        %lt3A_162 = arith.constant 32 : i32
        %lt3A_163 = arith.cmpi slt, %add3A_161, %lt3A_162 : i32
        %convert_element_type3A_164 = arith.extui %lt3A_163 : i1 to i32
        %cond3A_165 = arith.constant 0 : i32
        %cond3A_166 = arith.cmpi ne, %convert_element_type3A_164, %cond3A_165 : i32
        scf.if %cond3A_166 {
          %add3A_167 = arith.constant 3 : i32
          %add3A_168 = arith.addi %add3A_119, %add3A_167 : i32
          %mul3A_169 = arith.constant 8 : i32
          %mul3A_170 = arith.muli %add3A_168, %mul3A_169 : i32
          %dma_start3A_171 = tpu.memref_slice %arg7[%mul3A_170] : memref<256xi32, #tpu.memory_space<vmem>> -> memref<8xi32, #tpu.memory_space<vmem>>
          %dma_start3A_172 = arith.constant 0 : i32
          %dma_start3A_173 = arith.constant 0 : i32
          %dma_start3A_174 = tpu.memref_slice %arg2[%dma_start3A_172, %dma_start3A_173] : memref<16384x4096xf32, #tpu.memory_space<hbm>> -> memref<16384x4096xf32, #tpu.memory_space<hbm>>
          tpu.enqueue_indirect_dma source(%dma_start3A_174 : memref<16384x4096xf32, #tpu.memory_space<hbm>>) target(%arg11 : memref<8x4096xf32, #tpu.memory_space<vmem>>) offsets(%dma_start3A_171 : memref<8xi32, #tpu.memory_space<vmem>>) semaphore(%arg14 : memref<!tpu.dma_semaphore, #tpu.memory_space<semaphore_mem>>)
        } else {
        }
      } else {
      }
      %mul3A_122 = arith.constant 3 : i32
      %mul3A_123 = arith.muli %mul3A_122, %scan3A_114 : i32
      %add3A_124 = arith.constant 1 : i32
      %add3A_125 = arith.addi %mul3A_123, %add3A_124 : i32
      %lt3A_126 = arith.constant 32 : i32
      %lt3A_127 = arith.cmpi slt, %add3A_125, %lt3A_126 : i32
      %convert_element_type3A_128 = arith.extui %lt3A_127 : i1 to i32
      %cond3A_129 = arith.constant 0 : i32
      %cond3A_130 = arith.cmpi ne, %convert_element_type3A_128, %cond3A_129 : i32
      scf.if %cond3A_130 {
        %mul3A_141 = arith.constant 8 : i32
        %mul3A_142 = arith.muli %add3A_125, %mul3A_141 : i32
        %dma_wait3A_143 = tpu.memref_slice %arg7[%mul3A_142] : memref<256xi32, #tpu.memory_space<vmem>> -> memref<8xi32, #tpu.memory_space<vmem>>
        %dma_wait3A_144 = arith.constant 0 : i32
        %dma_wait3A_145 = arith.constant 0 : i32
        %dma_wait3A_146 = tpu.memref_slice %arg2[%dma_wait3A_144, %dma_wait3A_145] : memref<16384x4096xf32, #tpu.memory_space<hbm>> -> memref<16384x4096xf32, #tpu.memory_space<hbm>>
        tpu.wait_indirect_dma semaphore(%arg15 : memref<!tpu.dma_semaphore, #tpu.memory_space<semaphore_mem>>) src(%dma_wait3A_146 : memref<16384x4096xf32, #tpu.memory_space<hbm>>) dst(%arg12 : memref<8x4096xf32, #tpu.memory_space<vmem>>)
        %parallel_loop3A = arith.constant 0 : i32
        %parallel_loop3A_147 = arith.constant 2048 : i32
        %parallel_loop3A_148 = arith.constant 1 : i32
        scf.for %parallel_loop3A_167 = %parallel_loop3A to %parallel_loop3A_147 step %parallel_loop3A_148  : i32 {
          %parallel_loop3A_168 = arith.constant 8 : i32
          %parallel_loop3A_169 = arith.shrui %parallel_loop3A_167, %parallel_loop3A_168 : i32
          %parallel_loop3A_170 = arith.constant 255 : i32
          %parallel_loop3A_171 = arith.andi %parallel_loop3A_167, %parallel_loop3A_170 : i32
          %parallel_loop3A_172 = arith.constant 4 : i32
          %parallel_loop3A_173 = arith.shli %parallel_loop3A_171, %parallel_loop3A_172 : i32
          %parallel_loop3A_174 = arith.index_cast %parallel_loop3A_169 : i32 to index
          %parallel_loop3A_175 = arith.index_cast %parallel_loop3A_173 : i32 to index
          %parallel_loop3A_176 = tpu.vector_load %arg12[%parallel_loop3A_174, %parallel_loop3A_175] {strides = array<i32>} : memref<8x4096xf32, #tpu.memory_space<vmem>>, vector<16xf32>,
          %parallel_loop3A_177 = arith.mulf %parallel_loop3A_176, %mul3A_71 : vector<16xf32>
          %parallel_loop3A_178 = arith.addf %parallel_loop3A_177, %mul3A_72 : vector<16xf32>
          %parallel_loop3A_179 = arith.maximumf %parallel_loop3A_178, %mul3A_75 : vector<16xf32>
          %parallel_loop3A_180 = arith.minimumf %parallel_loop3A_179, %div3A_70 : vector<16xf32>
          %parallel_loop3A_181 = arith.index_cast %parallel_loop3A_169 : i32 to index
          %parallel_loop3A_182 = arith.index_cast %parallel_loop3A_173 : i32 to index
          %parallel_loop3A_183 = tpu.vector_load %arg12[%parallel_loop3A_181, %parallel_loop3A_182] {strides = array<i32>} : memref<8x4096xf32, #tpu.memory_space<vmem>>, vector<16xf32>,
          tpu.vector_store %arg12[%parallel_loop3A_181, %parallel_loop3A_182], %parallel_loop3A_180 {strides = array<i32>} : memref<8x4096xf32, #tpu.memory_space<vmem>>, vector<16xf32>,
        } {sc.loop_unroll_factor = 8 : i64, sc.parallel_access}
        %mul3A_149 = arith.constant 8 : i32
        %mul3A_150 = arith.muli %add3A_125, %mul3A_149 : i32
        %add3A_151 = arith.addi %mul3A_2, %mul3A_150 : i32
        %dma_start3A_152 = arith.constant 0 : i32
        %dma_start3A_153 = tpu.memref_slice %arg6[%add3A_151, %dma_start3A_152] : memref<8192x4096xf32, #tpu.memory_space<hbm>> -> memref<8x4096xf32, #tpu.memory_space<hbm>>
        %dma_start3A_154 = arith.constant 0 : i32
        %dma_start3A_155 = tpu.memref_slice %arg6[%add3A_151, %dma_start3A_154] : memref<8192x4096xf32, #tpu.memory_space<hbm>> -> memref<8x4096xf32, #tpu.memory_space<hbm>>
        tpu.enqueue_dma source(%arg12 : memref<8x4096xf32, #tpu.memory_space<vmem>>) target(%dma_start3A_155 : memref<8x4096xf32, #tpu.memory_space<hbm>>) target_semaphore(%arg18 : memref<!tpu.dma_semaphore, #tpu.memory_space<semaphore_mem>>)
        %ge3A = arith.constant 3 : i32
        %ge3A_156 = arith.cmpi sge, %add3A_125, %ge3A : i32
        %convert_element_type3A_157 = arith.extui %ge3A_156 : i1 to i32
        %cond3A_158 = arith.constant 0 : i32
        %cond3A_159 = arith.cmpi ne, %convert_element_type3A_157, %cond3A_158 : i32
        scf.if %cond3A_159 {
          %sub3A_167 = arith.constant 3 : i32
          %sub3A_168 = arith.subi %add3A_125, %sub3A_167 : i32
          %mul3A_169 = arith.constant 8 : i32
          %mul3A_170 = arith.muli %sub3A_168, %mul3A_169 : i32
          %add3A_171 = arith.addi %mul3A_2, %mul3A_170 : i32
          %dma_wait3A_172 = arith.constant 0 : i32
          %dma_wait3A_173 = tpu.memref_slice %arg6[%add3A_171, %dma_wait3A_172] : memref<8192x4096xf32, #tpu.memory_space<hbm>> -> memref<8x4096xf32, #tpu.memory_space<hbm>>
          %dma_wait3A_174 = arith.constant 0 : i32
          %dma_wait3A_175 = tpu.memref_slice %arg6[%add3A_171, %dma_wait3A_174] : memref<8192x4096xf32, #tpu.memory_space<hbm>> -> memref<8x4096xf32, #tpu.memory_space<hbm>>
          tpu.wait_dma2 semaphore(%arg18 : memref<!tpu.dma_semaphore, #tpu.memory_space<semaphore_mem>>) src(%arg12 : memref<8x4096xf32, #tpu.memory_space<vmem>>) dst(%dma_wait3A_175 : memref<8x4096xf32, #tpu.memory_space<hbm>>)
        } else {
        }
        %add3A_160 = arith.constant 3 : i32
        %add3A_161 = arith.addi %add3A_125, %add3A_160 : i32
        %lt3A_162 = arith.constant 32 : i32
        %lt3A_163 = arith.cmpi slt, %add3A_161, %lt3A_162 : i32
        %convert_element_type3A_164 = arith.extui %lt3A_163 : i1 to i32
        %cond3A_165 = arith.constant 0 : i32
        %cond3A_166 = arith.cmpi ne, %convert_element_type3A_164, %cond3A_165 : i32
        scf.if %cond3A_166 {
          %add3A_167 = arith.constant 3 : i32
          %add3A_168 = arith.addi %add3A_125, %add3A_167 : i32
          %mul3A_169 = arith.constant 8 : i32
          %mul3A_170 = arith.muli %add3A_168, %mul3A_169 : i32
          %dma_start3A_171 = tpu.memref_slice %arg7[%mul3A_170] : memref<256xi32, #tpu.memory_space<vmem>> -> memref<8xi32, #tpu.memory_space<vmem>>
          %dma_start3A_172 = arith.constant 0 : i32
          %dma_start3A_173 = arith.constant 0 : i32
          %dma_start3A_174 = tpu.memref_slice %arg2[%dma_start3A_172, %dma_start3A_173] : memref<16384x4096xf32, #tpu.memory_space<hbm>> -> memref<16384x4096xf32, #tpu.memory_space<hbm>>
          tpu.enqueue_indirect_dma source(%dma_start3A_174 : memref<16384x4096xf32, #tpu.memory_space<hbm>>) target(%arg12 : memref<8x4096xf32, #tpu.memory_space<vmem>>) offsets(%dma_start3A_171 : memref<8xi32, #tpu.memory_space<vmem>>) semaphore(%arg15 : memref<!tpu.dma_semaphore, #tpu.memory_space<semaphore_mem>>)
        } else {
        }
      } else {
      }
      %mul3A_131 = arith.constant 3 : i32
      %mul3A_132 = arith.muli %mul3A_131, %scan3A_114 : i32
      %add3A_133 = arith.constant 2 : i32
      %add3A_134 = arith.addi %mul3A_132, %add3A_133 : i32
      %lt3A_135 = arith.constant 32 : i32
      %lt3A_136 = arith.cmpi slt, %add3A_134, %lt3A_135 : i32
      %convert_element_type3A_137 = arith.extui %lt3A_136 : i1 to i32
      %cond3A_138 = arith.constant 0 : i32
      %cond3A_139 = arith.cmpi ne, %convert_element_type3A_137, %cond3A_138 : i32
      scf.if %cond3A_139 {
        %mul3A_141 = arith.constant 8 : i32
        %mul3A_142 = arith.muli %add3A_134, %mul3A_141 : i32
        %dma_wait3A_143 = tpu.memref_slice %arg7[%mul3A_142] : memref<256xi32, #tpu.memory_space<vmem>> -> memref<8xi32, #tpu.memory_space<vmem>>
        %dma_wait3A_144 = arith.constant 0 : i32
        %dma_wait3A_145 = arith.constant 0 : i32
        %dma_wait3A_146 = tpu.memref_slice %arg2[%dma_wait3A_144, %dma_wait3A_145] : memref<16384x4096xf32, #tpu.memory_space<hbm>> -> memref<16384x4096xf32, #tpu.memory_space<hbm>>
        tpu.wait_indirect_dma semaphore(%arg16 : memref<!tpu.dma_semaphore, #tpu.memory_space<semaphore_mem>>) src(%dma_wait3A_146 : memref<16384x4096xf32, #tpu.memory_space<hbm>>) dst(%arg13 : memref<8x4096xf32, #tpu.memory_space<vmem>>)
        %parallel_loop3A = arith.constant 0 : i32
        %parallel_loop3A_147 = arith.constant 2048 : i32
        %parallel_loop3A_148 = arith.constant 1 : i32
        scf.for %parallel_loop3A_167 = %parallel_loop3A to %parallel_loop3A_147 step %parallel_loop3A_148  : i32 {
          %parallel_loop3A_168 = arith.constant 8 : i32
          %parallel_loop3A_169 = arith.shrui %parallel_loop3A_167, %parallel_loop3A_168 : i32
          %parallel_loop3A_170 = arith.constant 255 : i32
          %parallel_loop3A_171 = arith.andi %parallel_loop3A_167, %parallel_loop3A_170 : i32
          %parallel_loop3A_172 = arith.constant 4 : i32
          %parallel_loop3A_173 = arith.shli %parallel_loop3A_171, %parallel_loop3A_172 : i32
          %parallel_loop3A_174 = arith.index_cast %parallel_loop3A_169 : i32 to index
          %parallel_loop3A_175 = arith.index_cast %parallel_loop3A_173 : i32 to index
          %parallel_loop3A_176 = tpu.vector_load %arg13[%parallel_loop3A_174, %parallel_loop3A_175] {strides = array<i32>} : memref<8x4096xf32, #tpu.memory_space<vmem>>, vector<16xf32>,
          %parallel_loop3A_177 = arith.mulf %parallel_loop3A_176, %mul3A_71 : vector<16xf32>
          %parallel_loop3A_178 = arith.addf %parallel_loop3A_177, %mul3A_72 : vector<16xf32>
          %parallel_loop3A_179 = arith.maximumf %parallel_loop3A_178, %mul3A_75 : vector<16xf32>
          %parallel_loop3A_180 = arith.minimumf %parallel_loop3A_179, %div3A_70 : vector<16xf32>
          %parallel_loop3A_181 = arith.index_cast %parallel_loop3A_169 : i32 to index
          %parallel_loop3A_182 = arith.index_cast %parallel_loop3A_173 : i32 to index
          %parallel_loop3A_183 = tpu.vector_load %arg13[%parallel_loop3A_181, %parallel_loop3A_182] {strides = array<i32>} : memref<8x4096xf32, #tpu.memory_space<vmem>>, vector<16xf32>,
          tpu.vector_store %arg13[%parallel_loop3A_181, %parallel_loop3A_182], %parallel_loop3A_180 {strides = array<i32>} : memref<8x4096xf32, #tpu.memory_space<vmem>>, vector<16xf32>,
        } {sc.loop_unroll_factor = 8 : i64, sc.parallel_access}
        %mul3A_149 = arith.constant 8 : i32
        %mul3A_150 = arith.muli %add3A_134, %mul3A_149 : i32
        %add3A_151 = arith.addi %mul3A_2, %mul3A_150 : i32
        %dma_start3A_152 = arith.constant 0 : i32
        %dma_start3A_153 = tpu.memref_slice %arg6[%add3A_151, %dma_start3A_152] : memref<8192x4096xf32, #tpu.memory_space<hbm>> -> memref<8x4096xf32, #tpu.memory_space<hbm>>
        %dma_start3A_154 = arith.constant 0 : i32
        %dma_start3A_155 = tpu.memref_slice %arg6[%add3A_151, %dma_start3A_154] : memref<8192x4096xf32, #tpu.memory_space<hbm>> -> memref<8x4096xf32, #tpu.memory_space<hbm>>
        tpu.enqueue_dma source(%arg13 : memref<8x4096xf32, #tpu.memory_space<vmem>>) target(%dma_start3A_155 : memref<8x4096xf32, #tpu.memory_space<hbm>>) target_semaphore(%arg19 : memref<!tpu.dma_semaphore, #tpu.memory_space<semaphore_mem>>)
        %ge3A = arith.constant 3 : i32
        %ge3A_156 = arith.cmpi sge, %add3A_134, %ge3A : i32
        %convert_element_type3A_157 = arith.extui %ge3A_156 : i1 to i32
        %cond3A_158 = arith.constant 0 : i32
        %cond3A_159 = arith.cmpi ne, %convert_element_type3A_157, %cond3A_158 : i32
        scf.if %cond3A_159 {
          %sub3A_167 = arith.constant 3 : i32
          %sub3A_168 = arith.subi %add3A_134, %sub3A_167 : i32
          %mul3A_169 = arith.constant 8 : i32
          %mul3A_170 = arith.muli %sub3A_168, %mul3A_169 : i32
          %add3A_171 = arith.addi %mul3A_2, %mul3A_170 : i32
          %dma_wait3A_172 = arith.constant 0 : i32
          %dma_wait3A_173 = tpu.memref_slice %arg6[%add3A_171, %dma_wait3A_172] : memref<8192x4096xf32, #tpu.memory_space<hbm>> -> memref<8x4096xf32, #tpu.memory_space<hbm>>
          %dma_wait3A_174 = arith.constant 0 : i32
          %dma_wait3A_175 = tpu.memref_slice %arg6[%add3A_171, %dma_wait3A_174] : memref<8192x4096xf32, #tpu.memory_space<hbm>> -> memref<8x4096xf32, #tpu.memory_space<hbm>>
          tpu.wait_dma2 semaphore(%arg19 : memref<!tpu.dma_semaphore, #tpu.memory_space<semaphore_mem>>) src(%arg13 : memref<8x4096xf32, #tpu.memory_space<vmem>>) dst(%dma_wait3A_175 : memref<8x4096xf32, #tpu.memory_space<hbm>>)
        } else {
        }
        %add3A_160 = arith.constant 3 : i32
        %add3A_161 = arith.addi %add3A_134, %add3A_160 : i32
        %lt3A_162 = arith.constant 32 : i32
        %lt3A_163 = arith.cmpi slt, %add3A_161, %lt3A_162 : i32
        %convert_element_type3A_164 = arith.extui %lt3A_163 : i1 to i32
        %cond3A_165 = arith.constant 0 : i32
        %cond3A_166 = arith.cmpi ne, %convert_element_type3A_164, %cond3A_165 : i32
        scf.if %cond3A_166 {
          %add3A_167 = arith.constant 3 : i32
          %add3A_168 = arith.addi %add3A_134, %add3A_167 : i32
          %mul3A_169 = arith.constant 8 : i32
          %mul3A_170 = arith.muli %add3A_168, %mul3A_169 : i32
          %dma_start3A_171 = tpu.memref_slice %arg7[%mul3A_170] : memref<256xi32, #tpu.memory_space<vmem>> -> memref<8xi32, #tpu.memory_space<vmem>>
          %dma_start3A_172 = arith.constant 0 : i32
          %dma_start3A_173 = arith.constant 0 : i32
          %dma_start3A_174 = tpu.memref_slice %arg2[%dma_start3A_172, %dma_start3A_173] : memref<16384x4096xf32, #tpu.memory_space<hbm>> -> memref<16384x4096xf32, #tpu.memory_space<hbm>>
          tpu.enqueue_indirect_dma source(%dma_start3A_174 : memref<16384x4096xf32, #tpu.memory_space<hbm>>) target(%arg13 : memref<8x4096xf32, #tpu.memory_space<vmem>>) offsets(%dma_start3A_171 : memref<8xi32, #tpu.memory_space<vmem>>) semaphore(%arg16 : memref<!tpu.dma_semaphore, #tpu.memory_space<semaphore_mem>>)
        } else {
        }
      } else {
      }
      %scan3A_140 = arith.constant 0 : i32
      scf.yield %scan3A_140 : i32
    }
    %scan3A_96 = arith.constant 11 : i32
    %add3A_97 = arith.constant 232 : i32
    %add3A_98 = arith.addi %mul3A_2, %add3A_97 : i32
    %dma_wait3A = arith.constant 0 : i32
    %dma_wait3A_99 = tpu.memref_slice %arg6[%add3A_98, %dma_wait3A] : memref<8192x4096xf32, #tpu.memory_space<hbm>> -> memref<8x4096xf32, #tpu.memory_space<hbm>>
    %dma_wait3A_100 = arith.constant 0 : i32
    %dma_wait3A_101 = tpu.memref_slice %arg6[%add3A_98, %dma_wait3A_100] : memref<8192x4096xf32, #tpu.memory_space<hbm>> -> memref<8x4096xf32, #tpu.memory_space<hbm>>
    tpu.wait_dma2 semaphore(%arg19 : memref<!tpu.dma_semaphore, #tpu.memory_space<semaphore_mem>>) src(%arg13 : memref<8x4096xf32, #tpu.memory_space<vmem>>) dst(%dma_wait3A_101 : memref<8x4096xf32, #tpu.memory_space<hbm>>)
    %add3A_102 = arith.constant 240 : i32
    %add3A_103 = arith.addi %mul3A_2, %add3A_102 : i32
    %dma_wait3A_104 = arith.constant 0 : i32
    %dma_wait3A_105 = tpu.memref_slice %arg6[%add3A_103, %dma_wait3A_104] : memref<8192x4096xf32, #tpu.memory_space<hbm>> -> memref<8x4096xf32, #tpu.memory_space<hbm>>
    %dma_wait3A_106 = arith.constant 0 : i32
    %dma_wait3A_107 = tpu.memref_slice %arg6[%add3A_103, %dma_wait3A_106] : memref<8192x4096xf32, #tpu.memory_space<hbm>> -> memref<8x4096xf32, #tpu.memory_space<hbm>>
    tpu.wait_dma2 semaphore(%arg17 : memref<!tpu.dma_semaphore, #tpu.memory_space<semaphore_mem>>) src(%arg11 : memref<8x4096xf32, #tpu.memory_space<vmem>>) dst(%dma_wait3A_107 : memref<8x4096xf32, #tpu.memory_space<hbm>>)
    %add3A_108 = arith.constant 248 : i32
    %add3A_109 = arith.addi %mul3A_2, %add3A_108 : i32
    %dma_wait3A_110 = arith.constant 0 : i32
    %dma_wait3A_111 = tpu.memref_slice %arg6[%add3A_109, %dma_wait3A_110] : memref<8192x4096xf32, #tpu.memory_space<hbm>> -> memref<8x4096xf32, #tpu.memory_space<hbm>>
    %dma_wait3A_112 = arith.constant 0 : i32
    %dma_wait3A_113 = tpu.memref_slice %arg6[%add3A_109, %dma_wait3A_112] : memref<8192x4096xf32, #tpu.memory_space<hbm>> -> memref<8x4096xf32, #tpu.memory_space<hbm>>
    tpu.wait_dma2 semaphore(%arg18 : memref<!tpu.dma_semaphore, #tpu.memory_space<semaphore_mem>>) src(%arg12 : memref<8x4096xf32, #tpu.memory_space<vmem>>) dst(%dma_wait3A_113 : memref<8x4096xf32, #tpu.memory_space<hbm>>)
    return
  }
}

</mosaic_0001>

<sc_bundles>
// kernel: kernel.4.cloned.1.call-start
scs
__scs_entry_jumppad:
0x0: {  	(pc) =	sbr.rel $0x88, $3  }
0x1: {  	(tag) =	ssettag $0x0;
	lr =	simm.s32 $0x1  }
0x2: {  	[smem:$0x3F9E] =	sst lr;
	_ =	strace $0xD0000000  }
0x3: {  	_ = 	snop  }
0x4: {  	_ = 	snop  }
0x5: {  	_ = 	snop  }
0x6: {  	_ = 	snop  }
0x7: {  	_ = 	snop  }
__scs_overlays_trampoline_lowered:
0x8: {  	[smem:$0x3FAD] =	sst s0  }
0x9: {  	[smem:$0x3FAE] =	sst s1  }
0xa: {  	[smem:$0x3FAF] =	sst s2  }
0xb: {  	[smem:$0x3FB0] =	sst s3  }
0xc: {  	[smem:$0x3FB1] =	sst s4  }
0xd: {  	[smem:$0x3FB2] =	sst s5  }
0xe: {  	[smem:$0x3FB3] =	sst s6  }
0xf: {  	[smem:$0x3FB4] =	sst s7  }
0x10: {  	[smem:$0x3FB5] =	sst s8  }
0x11: {  	[smem:$0x3FB6] =	sst s9;
	s0 =	simm.s32 @!p0 $0x0  }
0x12: {  	s1 =	sld [smem:$0x3F9C];
	s0 =	simm.s32 @p0 $0x1  }
0x13: {  	[smem:$0x3FB7] =	sst s0;
	s0 =	simm.s32 @!p1 $0x0  }
0x14: {  	s2 =	sld [smem:$0x3F9B];
	s0 =	simm.s32 @p1 $0x1  }
0x15: {  	[smem:$0x3FB8] =	sst s0;
	s0 =	simm.s32 @!p2 $0x0  }
0x16: {  	s3 =	sld [smem:$0x3FDB];
	s0 =	simm.s32 @p2 $0x1  }
0x17: {  	s4 =	simm.s32 $0x1BF5;
	[smem:$0x3FBA] =	sst s0  }
0x18: {  	s0 =	sld [smem:$0x3F9D];
	_ =	swait.ge [sflag:s4], $0x0  }
0x19: {  	s7 =	sld [smem:$0x3F9E]  }
0x1a: {  	s8 =	sadd.s32 $0xFFFFE003, lr  }
0x1b: {  	s9 =	sadd.s32 $0xFFFFFEF7, lr;
	s5 =	simm.s32 $0xFFFFFFFF;
	p2 =	slt.u32 s8, $0xFFFFF086  }
0x1c: {  	p1 =	slt.u32 s9, $0xF7A;
	s5 =	simm.s32 @!p2 $0x0  }
0x1d: {  	s5 =	simm.s32 @p1 $0x1;
	p0 =	seq.s32 s7, s2  }
0x1e: {  	s7 =	smul.u32 @!p0 $0xF7A, s2;
	p2 =	seq.s32 @!p0 s5, $0x0  }
0x1f: {  	s9 =	smul.u32 $0xF7A, s1;
	s8 =	simm.s32 @!p0 $0x1BF5;
	p2 =	por !p2, p0  }
0x20: {  	[sflag:s8] =	ssyncset.s32 @!p0 $0xFFFFF086;
	s6 =	sadd.s32 @!p0 s3, s7;
	s7 =	simm.s32 @!p0 $0x108  }
0x21: {  	s3 =	sadd.s32 s3, s9;
	s6 =	sadd.s32 @!p0 $0x88, s6;
	s7 =	simm.s32 @p2 $0x1082  }
0x22: {  	[simem:s7], [sflag:s8] =	dma.local @!p0 [hbm:s6], $0xF7A  }
0x23: {  	s9 =	sor.u32 $0xD0000000, s2;
	s6 =	simm.s32 $0x108;
	_ =	swait.ge @!p0 [sflag:s8], $0x0  }
0x24: {  	s3 =	sadd.s32 $0x88, s3;
	s6 =	simm.s32 @!p1 $0x1082;
	[sflag:s4] =	ssyncset.s32 $0xFFFFF086  }
0x25: {  	[simem:s6], [sflag:s4] =	dma.local [hbm:s3], $0xF7A  }
0x26: {  	[smem:$0x3F9E] =	sst s1;
	(tag) =	ssettag s2;
	_ =	strace s9  }
0x27: {  	s1 =	sld [smem:$0x3FAE]  }
0x28: {  	s2 =	sld [smem:$0x3FAF]  }
0x29: {  	s4 =	sld [smem:$0x3FB1]  }
0x2a: {  	p0 =	seq.s32 s5, $0x0;
	s5 =	sld [smem:$0x3FB2]  }
0x2b: {  	s6 =	sld [smem:$0x3FB3]  }
0x2c: {  	s7 =	sld [smem:$0x3FB4]  }
0x2d: {  	s3 =	simm.s32 $0x108;
	s8 =	sld [smem:$0x3FB5]  }
0x2e: {  	s3 =	simm.s32 @!p0 $0x1082;
	s9 =	sld [smem:$0x3FB6]  }
0x2f: {  	lr =	sadd.s32 s0, s3;
	s0 =	sld [smem:$0x3FAD]  }
0x30: {  	s3 =	sld [smem:$0x3FB0]  }
0x31: {  	[smem:$0x3FB9] =	sst s10  }
0x32: {  	s10 =	sld [smem:$0x3FB7];
	_ =	sdelay $0x3  }
0x33: {  	p0 =	seq.s32 s10, $0x1;
	s10 =	sld [smem:$0x3FB9];
	_ =	sdelay $0x3  }
0x34: {  	[smem:$0x3FB9] =	sst s10  }
0x35: {  	s10 =	sld [smem:$0x3FB8];
	_ =	sdelay $0x3  }
0x36: {  	p1 =	seq.s32 s10, $0x1;
	s10 =	sld [smem:$0x3FB9];
	_ =	sdelay $0x3  }
0x37: {  	[smem:$0x3FB9] =	sst s10  }
0x38: {  	s10 =	sld [smem:$0x3FBA]  }
0x39: {  	_ = 	snop;
	(pc) =	sbr.ind lr, $3  }
0x3a: {  	_ = 	snop  }
0x3b: {  	_ = 	snop  }
0x3c: {  	p2 =	seq.s32 s10, $0x1;
	s10 =	sld [smem:$0x3FB9]  }
0x3d: {  	_ =	shalt  }
0x3e: {  	_ =	shalt  }
0x3f: {  	_ =	shalt  }
0x40: {  	_ =	shalt  }
0x41: {  	_ =	shalt  }
0x42: {  	_ =	shalt  }
0x43: {  	_ =	shalt  }
0x44: {  	_ =	shalt  }
0x45: {  	_ =	shalt  }
0x46: {  	_ =	shalt  }
0x47: {  	_ =	shalt  }
0x48: {  	_ =	shalt  }
0x49: {  	_ =	shalt  }
0x4a: {  	_ =	shalt  }
0x4b: {  	_ =	shalt  }
0x4c: {  	_ =	shalt  }
0x4d: {  	_ =	shalt  }
0x4e: {  	_ =	shalt  }
0x4f: {  	_ =	shalt  }
0x50: {  	_ =	shalt  }
0x51: {  	_ =	shalt  }
0x52: {  	_ =	shalt  }
0x53: {  	_ =	shalt  }
0x54: {  	_ =	shalt  }
0x55: {  	_ =	shalt  }
0x56: {  	_ =	shalt  }
0x57: {  	_ =	shalt  }
0x58: {  	_ =	shalt  }
0x59: {  	_ =	shalt  }
0x5a: {  	_ =	shalt  }
0x5b: {  	_ =	shalt  }
0x5c: {  	_ =	shalt  }
0x5d: {  	_ =	shalt  }
0x5e: {  	_ =	shalt  }
0x5f: {  	_ =	shalt  }
0x60: {  	_ =	shalt  }
0x61: {  	_ =	shalt  }
0x62: {  	_ =	shalt  }
0x63: {  	_ =	shalt  }
0x64: {  	_ =	shalt  }
0x65: {  	_ =	shalt  }
0x66: {  	_ =	shalt  }
0x67: {  	_ =	shalt  }
0x68: {  	_ =	shalt  }
0x69: {  	_ =	shalt  }
0x6a: {  	_ =	shalt  }
0x6b: {  	_ =	shalt  }
0x6c: {  	_ =	shalt  }
0x6d: {  	_ =	shalt  }
0x6e: {  	_ =	shalt  }
0x6f: {  	_ =	shalt  }
0x70: {  	_ =	shalt  }
0x71: {  	_ =	shalt  }
0x72: {  	_ =	shalt  }
0x73: {  	_ =	shalt  }
0x74: {  	_ =	shalt  }
0x75: {  	_ =	shalt  }
0x76: {  	_ =	shalt  }
0x77: {  	_ =	shalt  }
0x78: {  	_ =	shalt  }
0x79: {  	_ =	shalt  }
0x7a: {  	_ =	shalt  }
0x7b: {  	_ =	shalt  }
0x7c: {  	_ =	shalt  }
0x7d: {  	_ =	shalt  }
0x7e: {  	_ =	shalt  }
0x7f: {  	_ =	shalt  }
0x80: {  	_ =	shalt  }
0x81: {  	_ =	shalt  }
0x82: {  	_ =	shalt  }
0x83: {  	_ =	shalt  }
0x84: {  	_ =	shalt  }
0x85: {  	_ =	shalt  }
0x86: {  	_ =	shalt  }
0x87: {  	_ =	shalt  }
.Lfunc_end0:
.L_simem_size_0:
called_computation_lowered:
.L_overlay_start_0:
0x88: {  	s2 =	sld [smem:$0x3FD9]  }
0x89: {  	s3 =	sld [smem:$0x3FFE];
	_ =	sdelay $0x1  }
0x8a: {  	s1 =	srdreg.scid  }
0x8b: {  	s0 =	sand.u32 $0x1, s1  }
0x8c: {  	s17 =	sshll.u32 s0, $0xA;
	s2 =	sadd.s32 s3, s2  }
0x8d: {  	s2 =	sadd.s32 s2, s17  }
0x8e: {  	[smem:$0x3FC5] =	sst s2  }
0x8f: {  	_ = 	snop  }
0x90: {  	s2 =	sld [smem:$0x3FC7]  }
0x91: {  	s18 =	sld [smem:$0x3FD0];
	(tm) =	ssettm $0x1  }
0x92: {  	s4 =	sld [smem:$0x3FFB];
	_ =	sdelay $0x3  }
0x93: {  	_ =	strace s4  }
0x94: {  	s4 =	sld [smem:$0x3FFC];
	_ =	sdelay $0x3  }
0x95: {  	_ =	strace s4  }
0x96: {  	s4 =	sld [smem:$0x3FFD];
	_ =	sdelay $0x3  }
0x97: {  	_ =	strace s4  }
0x98: {  	_ =	strace $0x8FFFFFFF  }
0x99: {  	s19 =	sld [smem:$0x3FDB];
	_ =	sdelay $0x1  }
0x9a: {  	s5 =	simm.s32 $_scs_section_size  }
0x9b: {  	s6 =	simm.s32 $_size__tile_overlayer_lowered;
	s7 =	simm.s32 $_tile_overlayer_lowered  }
0x9c: {  	s22 =	simm.s32 $0x1BFF;
	s21 =	sshll.u32 s7, $0x1;
	s4 =	sadd.s32 s5, s19  }
0x9d: {  	s8 =	simm.s32 $0x0;
	s20 =	sshll.u32 s6, $0x1;
	s6 =	sadd.s32 s21, s4  }
0x9e: {  	[timem:s8], [sflag:s22] =	dma.local [hbm:s6], s20  }
0x9f: {  	_ =	swait.ge [sflag:s22], s20  }
0xa0: {  	s5 =	ssub.s32 $0x0, s20;
	[sflag:s22] =	ssyncset.done $0x0  }
0xa1: {  	[sflag:s22] =	ssyncadd.s32 s5;
	_ =	sdelay $0x1  }
0xa2: {  	s23 =	simm.s32 $0x1B8B  }
0xa3: {  	_ =	swait.ge [sflag:s23], $0x1  }
0xa4: {  	[sflag:s23] =	ssyncset.done $0x0  }
0xa5: {  	s25 =	simm.s32 $0x1B8E;
	s24 =	sld [smem:$0x3FFE];
	[sflag:s23] =	ssyncadd.s32 $0xFFFFFFFF  }
0xa6: {  	s26 =	simm.s32 $execute0_lowered;
	[smem:$0x3FD2] =	sst s25  }
0xa7: {  	s6 =	sshll.u32 s26, $0x1;
	_ =	strace $0x80000046;
	[dreg:$0x1] =	wrdreg $0xFFFFFFFF  }
0xa8: {  	s28 =	simm.s32 $_size_execute0_lowered;
	s4 =	sadd.s32 s4, s6;
	[dreg:$0x0] =	wrdreg $0x0  }
0xa9: {  	s6 =	sshll.u32 s28, $0x1;
	[dreg:$0x2] =	wrdreg s4  }
0xaa: {  	[dreg:$0x3] =	wrdreg s6  }
0xab: {  	[dreg:$0x4] =	wrdreg $0xC0  }
0xac: {  	_ =	task [dreg:s8], $0x5FFFF  }
0xad: {  	[dreg:$0x1] =	wrdreg $0xFFFFFFFF  }
0xae: {  	[dreg:$0x0] =	wrdreg $0x60  }
0xaf: {  	[dreg:$0x2] =	wrdreg s24  }
0xb0: {  	[dreg:$0x3] =	wrdreg s18  }
0xb1: {  	[dreg:$0x4] =	wrdreg s2  }
0xb2: {  	[dreg:$0x5] =	wrdreg $0x9  }
0xb3: {  	_ =	task.clear_ibuf [dreg:s8], $0x6FFFF;
	_ =	strace $0x90000046  }
0xb4: {  	s29 =	simm.s32 $0x9;
	_ =	strace $0x80000048  }
0xb5: {  	_ =	swait.ge [sflag:s29], $0x1  }
0xb6: {  	[sflag:s29] =	ssyncadd.s32 $0xFFFFFFFF  }
0xb7: {  	_ =	strace $0x90000048  }
0xb8: {  	_ =	sfence  }
0xb9: {  	s30 =	sld [smem:$0x0];
	_ =	sdelay $0x2  }
0xba: {  	s31 =	sshll.u32 s1, $0xD;
	s1 =	sshrl.u32 s1, $0x2  }
0xbb: {  	s3 =	sand.u32 $0x4000, s31;
	s1 =	sadd.s32 s1, s30  }
0xbc: {  	s0 =	sor.u32 s3, s0;
	s1 =	sshll.u32 s1, $0x11  }
0xbd: {  	s0 =	sor.u32 s1, s0  }
0xbe: {  	s0 =	sadd.s32 $0x8F2B, s0  }
0xbf: {  	[sflag:s0] =	ssyncadd.remote.s32 $0x1  }
0xc0: {  	_ =	sfence.sel $0xFFFF  }
0xc1: {  	[dreg:$0x0] =	wrdreg $0xFFFFFFFF;
	(pc) =	sbr.abs _section_cstart, $3  }
0xc2: {  	[dreg:$0x1] =	wrdreg $0xFFFFFFFF  }
0xc3: {  	_ =	task.clear_ibuf [dreg:s8], $0x2FFFF;
	_ =	strace $0x9FFFFFFF  }
0xc4: {  	(tm) =	ssettm $0x7FFFFFFF  }
0xc5: {  	_ =	shalt  }
tec
execute0_lowered:
.L_overlay_start_1:
0x0: {  	(tag) =	ssettag $0x1  }
0x1: {  	s0 =	rddreg [dreg:$0x0]  }
0x2: {  	s1 =	rddreg [dreg:$0x1];
	s3 =	simm.s32 $0x0;
	s2 =	srdreg.scid  }
0x3: {  	s4 =	stileid.u32;
	v0 =	vimm.s32 $0xFEDCBA98;
	s22 =	simm.s32 $0xD980;
	s24 =	simm.s32 $0xE180  }
0x4: {  	v1 =	vimm.s32 $0x76543210;
	v2 =	vimm.s32 $0xBA98FEDC;
	s23 =	simm.s32 $0xE980;
	s25 =	simm.s32 $0xF980;
	s26 =	simm.s32 $0x1  }
0x5: {  	v3 =	vimm.s32 $0x32107654;
	v4 =	vimm.s32 $0xDCFE98BA;
	s28 =	simm.s32 $0x2;
	[smem:$0x7FF] =	sst s3;
	s2 =	sand.u32 $0x1, s2  }
0x6: {  	v5 =	vimm.s32 $0x54761032;
	v6 =	vimm.s32 $0xEFCDAB89;
	s4 =	sshll.u32 s4, $0x1;
	s7 =	sadd.s32 $0xA00, s0;
	s8 =	sadd.s32 $0xB00, s0  }
0x7: {  	v7 =	vimm.s32 $0x67452301;
	s9 =	sadd.s32 $0xC00, s0;
	s10 =	sadd.s32 $0xD00, s0;
	s11 =	sadd.s32 $0xE00, s0  }
0x8: {  	s12 =	sadd.s32 $0xF00, s0;
	s13 =	sadd.s32 $0x1000, s0;
	s14 =	sadd.s32 $0x1100, s0;
	v0 =	vunpack.c.l.s4.s8 v0;
	v1 =	vunpack.c.l.s4.s8 v1;
	v2 =	vunpack.c.l.s4.s8 v2  }
0x9: {  	s15 =	sadd.s32 $0x1200, s0;
	s16 =	sadd.s32 $0x1300, s0;
	s17 =	sadd.s32 $0x1400, s0;
	v3 =	vunpack.c.l.s4.s8 v3;
	v4 =	vunpack.c.l.s4.s8 v4;
	v5 =	vunpack.c.l.s4.s8 v5  }
0xa: {  	s18 =	sadd.s32 $0x1500, s0;
	s19 =	sadd.s32 $0x1600, s0;
	s20 =	sadd.s32 $0x1700, s0;
	v6 =	vunpack.c.l.s4.s8 v6;
	v7 =	vunpack.c.l.s4.s8 v7;
	v0 =	vunpack.c.0.s8.s32 v0  }
0xb: {  	_ =	strace $0x80000047;
	s5 =	sor.u32 s2, s4;
	s2 =	ssub.s32 $0x2, s2;
	v1 =	vunpack.c.0.s8.s32 v1;
	v2 =	vunpack.c.0.s8.s32 v2;
	v3 =	vunpack.c.0.s8.s32 v3  }
0xc: {  	s4 =	sadd.s32 $0x800, s0;
	s6 =	sshll.u32 s5, $0x4;
	s29 =	sshrl.u32 s2, $0x1;
	v4 =	vunpack.c.0.s8.s32 v4;
	v5 =	vunpack.c.0.s8.s32 v5;
	v0 =	vand.u32 $0xF, v0  }
.Ltmp0:
0xd: {  	s5 =	sshll.u32 s5, $0x5;
	s21 =	sadd.s32 s6, s0;
	v0 =	vcombine.low v0, v1;
	v1 =	vunpack.c.0.s8.s32 v6;
	v6 =	vunpack.c.0.s8.s32 v7;
	(pc) =	sbr.rel .LBB2_1-.Ltmp0, $4  }
0xe: {  	s2 =	ssub.s32 s2, s29;
	s1 =	sadd.s32 s1, s5;
	s6 =	sadd.s32 $0x900, s0;
	v2 =	vcombine.low v3, v2;
	v3 =	vcombine.low v5, v4  }
0xf: {  	vm0 =	vmmov $0xffff;
	s5 =	simm.s32 $0x10180;
	[dreg:$0x4] =	wrdreg s1;
	s30 =	sadd.s32 $0x800800, s21;
	v5 =	vlaneseq.u32;
	v4 =	vcombine.low v6, v1  }
0x10: {  	s31 =	smax.u32 s2, $0x1;
	s1 =	simm.s32 $0x3;
	[dreg:$0x5] =	wrdreg s30;
	v1 =	vand.u32 $0xF, v2;
	v2 =	vand.u32 $0xF, v3;
	v6 =	vshrl.u32 v5, $0x3  }
0x11: {  	s2 =	simm.s32 $0xF180;
	s21 =	simm.s32 $0x0;
	[dreg:$0x6] =	wrdreg s31;
	v3 =	vand.u32 $0xF, v4;
	v4 =	vand.u32 $0x7, v5;
	v5 =	vmul.u32 $0x8, v6  }
.LBB2_8:
0x12: {  	[tilespmem:$0x10180] =	vst v13;
	s0 =	rddreg [dreg:$0x5];
	s5 =	simm.s32 $0x10180;
	s1 =	simm.s32 $0x3  }
0x13: {  	[hbm4b:s0+s3] =	stream.linear.scatter [tilespmem:s5], [sflag:$0x3], $0x80, $0x38;
	[tilespmem:$0x10200] =	vst v63  }
0x14: {  	_ =	swait.ge [sflag:s1], $0x80  }
0x15: {  	s21 =	rddreg [dreg:$0x7]  }
0x16: {  	s31 =	rddreg [dreg:$0x6];
	s21 =	sadd.s32 $0x1, s21  }
0x17: {  	p0 =	sne.s32 s21, s31  }
.Ltmp1:
0x18: {  	_ = 	snop;
	(pc) =	sbr.rel @!p0 .LBB2_9-.Ltmp1, $3  }
0x19: {  	_ =	sdelay $0x1  }
0x1a: {  	[sflag:s1] =	ssyncset.done $0x0  }
0x1b: {  	[sflag:s1] =	ssyncadd.s32 $0xFFFFFF80  }
.LBB2_1:
0x1c: {  	[dreg:$0x7] =	wrdreg s21  }
0x1d: {  	s0 =	rddreg [dreg:$0x4]  }
0x1e: {  	[tilespmem:s3], [sflag:$0x3] =	stream.linear.gather [hbm4b:s0+s3], $0x100, $0x38;
	[tilespmem:$0x10200] =	vst v63  }
0x1f: {  	_ =	swait.ge [sflag:s1], $0x100  }
0x20: {  	[sflag:s1] =	ssyncset.done $0x0  }
0x21: {  	[sflag:s1] =	ssyncadd.s32 $0xFFFFFF00  }
0x22: {  	s31 =	simm.s32 $0x100;
	s30 =	rddreg [dreg:$0x2]  }
0x23: {  	[tilespmem:s31], [sflag:$0x3] =	stream.linear.gather [hbm4b:s30+s3], $0x80, $0x38;
	[tilespmem:$0x10200] =	vst v63  }
0x24: {  	_ =	swait.ge [sflag:s1], $0x80  }
0x25: {  	[sflag:s1] =	ssyncset.done $0x0  }
0x26: {  	[sflag:s1] =	ssyncadd.s32 $0xFFFFFF80  }
0x27: {  	v6 =	vld [tilespmem:$0x100];
	_ =	sdelay $0x4  }
0x28: {  	[tilespmem:$0x10180] =	vst v6  }
0x29: {  	v7 =	vld.idx.msk [tilespmem:v0+s5+$0x0], $0xffff;
	_ =	sdelay $0x4  }
0x2a: {  	v6 =	vadd.f32 v7, v6;
	_ =	sdelay $0x1  }
0x2b: {  	[tilespmem:$0x10180] =	vst v6  }
0x2c: {  	v7 =	vld.idx.msk [tilespmem:v1+s5+$0x0], $0xffff  }
0x2d: {  	v8 =	vld.msk [tilespmem:$0x0], $0xff;
	_ =	sdelay $0x3  }
0x2e: {  	v6 =	vadd.f32 v7, v6  }
0x2f: {  	v7 =	vshll.u32 v8, $0x5  }
0x30: {  	v8 =	vand.u32 $0x7, v8;
	v7 =	vand.u32 $0xFFFFFF00, v7;
	[tilespmem:$0x10180] =	vst v6  }
0x31: {  	v7 =	vor.u32 v8, v7;
	v9 =	vld.idx.msk [tilespmem:v2+s5+$0x0], $0xffff  }
0x32: {  	v7 =	vperm.xlane v7, v4;
	_ =	sdelay $0x1  }
0x33: {  	v7 =	vadd.s32 v5, v7;
	_ =	sdelay $0x1  }
0x34: {  	v6 =	vadd.f32 v9, v6;
	_ =	sdelay $0x1  }
0x35: {  	s30 =	simm.s32 $0x180;
	[tilespmem:$0x10180] =	vst v6  }
0x36: {  	v8 =	vld.idx.msk [tilespmem:v3+s5+$0x0], $0xffff;
	[tilespmem:s30], [sflag:$0x1] =	stream.indirect_vreg.gather [hbm4b:s4+s3], $0x80, v7, vm0, $0xb8  }
0x37: {  	s31 =	simm.s32 $0x980  }
0x38: {  	[tilespmem:s31], [sflag:$0x1] =	stream.indirect_vreg.gather [hbm4b:s6+s3], $0x80, v7, vm0, $0xb8;
	[tilespmem:$0x10200] =	vst v63  }
0x39: {  	s1 =	simm.s32 $0x1180  }
0x3a: {  	[tilespmem:s1], [sflag:$0x1] =	stream.indirect_vreg.gather [hbm4b:s7+s3], $0x80, v7, vm0, $0xb8;
	[tilespmem:$0x10200] =	vst v63  }
0x3b: {  	s5 =	simm.s32 $0x1980  }
0x3c: {  	[tilespmem:s5], [sflag:$0x1] =	stream.indirect_vreg.gather [hbm4b:s8+s3], $0x80, v7, vm0, $0xb8;
	[tilespmem:$0x10200] =	vst v63  }
0x3d: {  	s21 =	simm.s32 $0x2180  }
0x3e: {  	[tilespmem:s21], [sflag:$0x1] =	stream.indirect_vreg.gather [hbm4b:s9+s3], $0x80, v7, vm0, $0xb8;
	[tilespmem:$0x10200] =	vst v63  }
0x3f: {  	s30 =	simm.s32 $0x2980  }
0x40: {  	[tilespmem:s30], [sflag:$0x1] =	stream.indirect_vreg.gather [hbm4b:s10+s3], $0x80, v7, vm0, $0xb8;
	[tilespmem:$0x10200] =	vst v63  }
0x41: {  	s31 =	simm.s32 $0x3180  }
0x42: {  	[tilespmem:s31], [sflag:$0x1] =	stream.indirect_vreg.gather [hbm4b:s11+s3], $0x80, v7, vm0, $0xb8;
	[tilespmem:$0x10200] =	vst v63  }
0x43: {  	s1 =	simm.s32 $0x3980  }
0x44: {  	[tilespmem:s1], [sflag:$0x1] =	stream.indirect_vreg.gather [hbm4b:s12+s3], $0x80, v7, vm0, $0xb8;
	[tilespmem:$0x10200] =	vst v63  }
0x45: {  	s5 =	simm.s32 $0x4180  }
0x46: {  	[tilespmem:s5], [sflag:$0x1] =	stream.indirect_vreg.gather [hbm4b:s13+s3], $0x80, v7, vm0, $0xb8;
	[tilespmem:$0x10200] =	vst v63  }
0x47: {  	s21 =	simm.s32 $0x4980  }
0x48: {  	[tilespmem:s21], [sflag:$0x1] =	stream.indirect_vreg.gather [hbm4b:s14+s3], $0x80, v7, vm0, $0xb8;
	[tilespmem:$0x10200] =	vst v63  }
0x49: {  	s30 =	simm.s32 $0x5180  }
0x4a: {  	[tilespmem:s30], [sflag:$0x1] =	stream.indirect_vreg.gather [hbm4b:s15+s3], $0x80, v7, vm0, $0xb8;
	[tilespmem:$0x10200] =	vst v63  }
0x4b: {  	s31 =	simm.s32 $0x5980  }
0x4c: {  	[tilespmem:s31], [sflag:$0x1] =	stream.indirect_vreg.gather [hbm4b:s16+s3], $0x80, v7, vm0, $0xb8;
	[tilespmem:$0x10200] =	vst v63  }
0x4d: {  	s1 =	simm.s32 $0x6180  }
0x4e: {  	[tilespmem:s1], [sflag:$0x1] =	stream.indirect_vreg.gather [hbm4b:s17+s3], $0x80, v7, vm0, $0xb8;
	[tilespmem:$0x10200] =	vst v63  }
0x4f: {  	s5 =	simm.s32 $0x6980  }
0x50: {  	[tilespmem:s5], [sflag:$0x1] =	stream.indirect_vreg.gather [hbm4b:s18+s3], $0x80, v7, vm0, $0xb8;
	[tilespmem:$0x10200] =	vst v63  }
0x51: {  	s21 =	simm.s32 $0x7180  }
0x52: {  	[tilespmem:s21], [sflag:$0x1] =	stream.indirect_vreg.gather [hbm4b:s19+s3], $0x80, v7, vm0, $0xb8;
	[tilespmem:$0x10200] =	vst v63  }
0x53: {  	s30 =	simm.s32 $0x7980  }
0x54: {  	[tilespmem:s30], [sflag:$0x1] =	stream.indirect_vreg.gather [hbm4b:s20+s3], $0x80, v7, vm0, $0xb8;
	[tilespmem:$0x10200] =	vst v63  }
0x55: {  	v7 =	vld.msk [tilespmem:$0x8], $0xff;
	_ =	sdelay $0x4  }
0x56: {  	v9 =	vshll.u32 v7, $0x5  }
0x57: {  	v7 =	vand.u32 $0x7, v7;
	v9 =	vand.u32 $0xFFFFFF00, v9  }
0x58: {  	v7 =	vor.u32 v7, v9  }
0x59: {  	v7 =	vperm.xlane v7, v4;
	_ =	sdelay $0x1  }
0x5a: {  	v7 =	vadd.s32 v5, v7;
	_ =	sdelay $0x3  }
0x5b: {  	s31 =	simm.s32 $0x8180  }
0x5c: {  	[tilespmem:s31], [sflag:$0x2] =	stream.indirect_vreg.gather [hbm4b:s4+s3], $0x80, v7, vm0, $0xb8;
	[tilespmem:$0x10200] =	vst v63  }
0x5d: {  	s1 =	simm.s32 $0x8980  }
0x5e: {  	[tilespmem:s1], [sflag:$0x2] =	stream.indirect_vreg.gather [hbm4b:s6+s3], $0x80, v7, vm0, $0xb8;
	[tilespmem:$0x10200] =	vst v63  }
0x5f: {  	s5 =	simm.s32 $0x9180  }
0x60: {  	[tilespmem:s5], [sflag:$0x2] =	stream.indirect_vreg.gather [hbm4b:s7+s3], $0x80, v7, vm0, $0xb8;
	[tilespmem:$0x10200] =	vst v63  }
0x61: {  	s21 =	simm.s32 $0x9980  }
0x62: {  	[tilespmem:s21], [sflag:$0x2] =	stream.indirect_vreg.gather [hbm4b:s8+s3], $0x80, v7, vm0, $0xb8;
	[tilespmem:$0x10200] =	vst v63  }
0x63: {  	s30 =	simm.s32 $0xA180  }
0x64: {  	[tilespmem:s30], [sflag:$0x2] =	stream.indirect_vreg.gather [hbm4b:s9+s3], $0x80, v7, vm0, $0xb8;
	[tilespmem:$0x10200] =	vst v63  }
0x65: {  	s31 =	simm.s32 $0xA980  }
0x66: {  	[tilespmem:s31], [sflag:$0x2] =	stream.indirect_vreg.gather [hbm4b:s10+s3], $0x80, v7, vm0, $0xb8;
	[tilespmem:$0x10200] =	vst v63  }
0x67: {  	s1 =	simm.s32 $0xB180  }
0x68: {  	[tilespmem:s1], [sflag:$0x2] =	stream.indirect_vreg.gather [hbm4b:s11+s3], $0x80, v7, vm0, $0xb8;
	[tilespmem:$0x10200] =	vst v63  }
0x69: {  	s5 =	simm.s32 $0xB980  }
0x6a: {  	[tilespmem:s5], [sflag:$0x2] =	stream.indirect_vreg.gather [hbm4b:s12+s3], $0x80, v7, vm0, $0xb8;
	[tilespmem:$0x10200] =	vst v63  }
0x6b: {  	s21 =	simm.s32 $0xC180  }
0x6c: {  	[tilespmem:s21], [sflag:$0x2] =	stream.indirect_vreg.gather [hbm4b:s13+s3], $0x80, v7, vm0, $0xb8;
	[tilespmem:$0x10200] =	vst v63  }
0x6d: {  	s30 =	simm.s32 $0xC980  }
0x6e: {  	[tilespmem:s30], [sflag:$0x2] =	stream.indirect_vreg.gather [hbm4b:s14+s3], $0x80, v7, vm0, $0xb8;
	[tilespmem:$0x10200] =	vst v63  }
0x6f: {  	s31 =	simm.s32 $0xD180  }
0x70: {  	[tilespmem:s31], [sflag:$0x2] =	stream.indirect_vreg.gather [hbm4b:s15+s3], $0x80, v7, vm0, $0xb8;
	[tilespmem:$0x10200] =	vst v63  }
0x71: {  	_ = 	snop  }
0x72: {  	[tilespmem:s22], [sflag:$0x2] =	stream.indirect_vreg.gather [hbm4b:s16+s3], $0x80, v7, vm0, $0xb8;
	[tilespmem:$0x10200] =	vst v63  }
0x73: {  	_ = 	snop  }
0x74: {  	[tilespmem:s24], [sflag:$0x2] =	stream.indirect_vreg.gather [hbm4b:s17+s3], $0x80, v7, vm0, $0xb8;
	[tilespmem:$0x10200] =	vst v63  }
0x75: {  	_ = 	snop  }
0x76: {  	[tilespmem:s23], [sflag:$0x2] =	stream.indirect_vreg.gather [hbm4b:s18+s3], $0x80, v7, vm0, $0xb8;
	[tilespmem:$0x10200] =	vst v63  }
0x77: {  	_ = 	snop  }
0x78: {  	v8 =	vadd.f32 v8, v6;
	[tilespmem:s2], [sflag:$0x2] =	stream.indirect_vreg.gather [hbm4b:s19+s3], $0x80, v7, vm0, $0xb8;
	[tilespmem:$0x10200] =	vst v63  }
0x79: {  	_ = 	snop  }
0x7a: {  	[tilespmem:s25], [sflag:$0x2] =	stream.indirect_vreg.gather [hbm4b:s20+s3], $0x80, v7, vm0, $0xb8;
	v7 =	vmul.f32 $1.220703130e-04, v8;
	[tilespmem:$0x10200] =	vst v63  }
0x7b: {  	v13 =	vimm.f32 $0.0e+00;
	s29 =	simm.s32 $0x0;
	v6 =	vsub.f32 $1.000000000e+00, v8;
	v8 =	vimm.f32 $0.0e+00  }
.LBB2_2:
0x7c: {  	_ =	swait.ge [sflag:s26], $0x8000;
	s0 =	simm.s32 $0x0;
	s1 =	simm.s32 $0x0  }
0x7d: {  	[sflag:s26] =	ssyncset.done $0x0;
	s0 =	sand.u32 $0x380, s0;
	s1 =	sand.u32 $0x7800, s1  }
0x7e: {  	[sflag:s26] =	ssyncadd.s32 $0xFFFF8000;
	s0 =	sor.u32 s0, s1  }
0x7f: {  	v9 =	vld [tilespmem:s0+$0x5C0]  }
0x80: {  	v10 =	vld [tilespmem:s0+$0x590]  }
0x81: {  	v11 =	vld [tilespmem:s0+$0x5F0]  }
0x82: {  	v12 =	vld [tilespmem:s0+$0x1A0]  }
0x83: {  	v14 =	vld [tilespmem:s0+$0x5D0]  }
0x84: {  	v15 =	vld [tilespmem:s0+$0x5B0]  }
0x85: {  	v17 =	vld [tilespmem:s0+$0x1C0]  }
0x86: {  	v19 =	vld [tilespmem:s0+$0x180]  }
0x87: {  	v22 =	vld [tilespmem:s0+$0x1E0];
	v9 =	vmul.f32 v9, v6  }
0x88: {  	v23 =	vld [tilespmem:s0+$0x5E0];
	v10 =	vmul.f32 v10, v6;
	v12 =	vmul.f32 v12, v6  }
0x89: {  	v24 =	vld [tilespmem:s0+$0x1F0];
	v14 =	vmul.f32 v14, v6;
	v11 =	vmul.f32 v11, v6  }
0x8a: {  	v16 =	vld [tilespmem:s0+$0x5A0];
	v15 =	vmul.f32 v15, v6;
	v17 =	vmul.f32 v17, v6;
	v9 =	vadd.f32 v9, v7  }
0x8b: {  	v18 =	vld [tilespmem:s0+$0x1D0];
	v19 =	vmul.f32 v19, v6;
	v10 =	vadd.f32 v10, v7;
	v12 =	vadd.f32 v12, v7  }
0x8c: {  	v20 =	vld [tilespmem:s0+$0x190];
	v22 =	vmul.f32 v22, v6;
	v14 =	vadd.f32 v14, v7;
	v11 =	vadd.f32 v11, v7  }
0x8d: {  	v23 =	vmul.f32 v23, v6;
	v15 =	vadd.f32 v15, v7;
	v17 =	vadd.f32 v17, v7  }
0x8e: {  	v24 =	vmul.f32 v24, v6;
	v22 =	vadd.f32 v22, v7;
	v19 =	vadd.f32 v19, v7  }
0x8f: {  	v21 =	vmax.f32 v10, $9.999999970e-07;
	v10 =	vmul.f32 v16, v6;
	v12 =	vmax.f32 v12, $9.999999970e-07  }
0x90: {  	v16 =	vld [tilespmem:s0+$0x1B0];
	v9 =	vmax.f32 v9, $9.999999970e-07;
	v15 =	vmax.f32 v15, $9.999999970e-07;
	v17 =	vmax.f32 v17, $9.999999970e-07  }
0x91: {  	v25 =	vmin.f32 v12, $1.000000000e+00;
	v12 =	vmul.f32 v18, v6;
	v18 =	vmul.f32 v20, v6;
	v20 =	vld [tilespmem:s0+$0x580]  }
0x92: {  	v11 =	vmax.f32 v11, $9.999999970e-07;
	v17 =	vmin.f32 v17, $1.000000000e+00;
	v10 =	vadd.f32 v10, v7  }
0x93: {  	v9 =	vmin.f32 v9, $1.000000000e+00;
	v30 =	vmin.f32 v15, $1.000000000e+00;
	v21 =	vmin.f32 v21, $1.000000000e+00  }
0x94: {  	s5 =	simm.s32 $0x800;
	s30 =	simm.s32 $0x8;
	v12 =	vadd.f32 v12, v7;
	v18 =	vadd.f32 v18, v7;
	v26 =	vmax.f32 v10, $9.999999970e-07  }
0x95: {  	s21 =	sand.u32 $0x380, s30;
	s0 =	sand.u32 $0x7800, s5;
	v10 =	vadd.f32 v23, v7;
	v23 =	vadd.f32 v24, v7;
	v16 =	vmul.f32 v16, v6  }
0x96: {  	s0 =	sor.u32 s21, s0;
	v24 =	vmax.f32 v14, $9.999999970e-07;
	v18 =	vmax.f32 v18, $9.999999970e-07;
	v20 =	vmul.f32 v20, v6  }
0x97: {  	v27 =	vld [tilespmem:s0+$0x5C0];
	v12 =	vmax.f32 v12, $9.999999970e-07;
	v18 =	vmin.f32 v18, $1.000000000e+00;
	v16 =	vadd.f32 v16, v7  }
0x98: {  	v14 =	vadd.f32 v18, v8;
	v18 =	vmax.f32 v22, $9.999999970e-07;
	v22 =	vld [tilespmem:s0+$0x590];
	v20 =	vadd.f32 v20, v7  }
0x99: {  	v28 =	vmin.f32 v18, $1.000000000e+00;
	v18 =	vmax.f32 v23, $9.999999970e-07;
	v23 =	vld [tilespmem:s0+$0x5F0];
	v16 =	vmax.f32 v16, $9.999999970e-07  }
0x9a: {  	v29 =	vld [tilespmem:s0+$0x1A0];
	v24 =	vmin.f32 v24, $1.000000000e+00;
	v10 =	vmax.f32 v10, $9.999999970e-07;
	v16 =	vmin.f32 v16, $1.000000000e+00  }
0x9b: {  	v12 =	vmin.f32 v12, $1.000000000e+00;
	v16 =	vadd.f32 v16, v14;
	v14 =	vmax.f32 v20, $9.999999970e-07;
	v20 =	vld [tilespmem:s0+$0x5D0]  }
0x9c: {  	v31 =	vld [tilespmem:s0+$0x5B0];
	v10 =	vmin.f32 v10, $1.000000000e+00;
	v27 =	vmul.f32 v27, v6;
	v18 =	vmin.f32 v18, $1.000000000e+00  }
0x9d: {  	v15 =	vmul.f32 v22, v6;
	v12 =	vadd.f32 v12, v16;
	v16 =	vmin.f32 v26, $1.000000000e+00  }
0x9e: {  	v22 =	vld [tilespmem:s0+$0x5A0];
	v26 =	vmin.f32 v11, $1.000000000e+00;
	v11 =	vmax.f32 v19, $9.999999970e-07;
	v19 =	vmul.f32 v23, v6  }
0x9f: {  	v23 =	vmul.f32 v29, v6;
	v29 =	vmin.f32 v11, $1.000000000e+00;
	v12 =	vadd.f32 v18, v12  }
0xa0: {  	v15 =	vadd.f32 v15, v7;
	v18 =	vld [tilespmem:s0+$0x1C0];
	v13 =	vadd.f32 v29, v13;
	v20 =	vmul.f32 v20, v6  }
0xa1: {  	v34 =	vld [tilespmem:s0+$0x1B0];
	v31 =	vmul.f32 v31, v6;
	v27 =	vadd.f32 v27, v7;
	v12 =	vadd.f32 v21, v12  }
0xa2: {  	v11 =	vmax.f32 v15, $9.999999970e-07;
	v21 =	vld [tilespmem:s0+$0x180];
	v25 =	vadd.f32 v25, v13;
	v15 =	vadd.f32 v20, v7  }
0xa3: {  	v33 =	vld [tilespmem:s0+$0x1D0];
	v22 =	vmul.f32 v22, v6;
	v20 =	vadd.f32 v23, v7;
	v30 =	vadd.f32 v30, v12  }
0xa4: {  	v14 =	vmin.f32 v14, $1.000000000e+00;
	v23 =	vld [tilespmem:s0+$0x190];
	v12 =	vadd.f32 v19, v7;
	v25 =	vadd.f32 v17, v25  }
0xa5: {  	v63 =	vld [tilespmem:s0+$0x580];
	v19 =	vmax.f32 v20, $9.999999970e-07;
	v20 =	vadd.f32 v22, v7;
	v29 =	vmul.f32 v18, v6  }
0xa6: {  	v32 =	vld [tilespmem:s0+$0x1E0];
	v18 =	vmax.f32 v27, $9.999999970e-07;
	v27 =	vmul.f32 v34, v6;
	v24 =	vadd.f32 v24, v30  }
0xa7: {  	v22 =	vld [tilespmem:s0+$0x5E0];
	v30 =	vadd.f32 v31, v7;
	v13 =	vmin.f32 v19, $1.000000000e+00;
	v31 =	vmul.f32 v21, v6  }
0xa8: {  	v35 =	vld [tilespmem:s0+$0x1F0];
	v27 =	vadd.f32 v27, v7;
	v21 =	vadd.f32 v26, v24;
	v24 =	vmul.f32 v33, v6  }
0xa9: {  	v17 =	vmul.f32 v23, v6;
	v26 =	vadd.f32 v29, v7;
	v19 =	vmax.f32 v30, $9.999999970e-07  }
0xaa: {  	v29 =	vadd.f32 v28, v25;
	v28 =	vmul.f32 v63, v6;
	v23 =	vadd.f32 v24, v7  }
0xab: {  	v24 =	vmax.f32 v26, $9.999999970e-07;
	v26 =	vmul.f32 v32, v6;
	v30 =	vadd.f32 v17, v7  }
0xac: {  	v22 =	vmul.f32 v22, v6;
	v17 =	vmin.f32 v24, $1.000000000e+00;
	v24 =	vadd.f32 v31, v7  }
0xad: {  	s31 =	simm.s32 $0x10;
	s0 =	simm.s32 $0x4000;
	v25 =	vadd.f32 v26, v7;
	v26 =	vmul.f32 v35, v6;
	v30 =	vmax.f32 v30, $9.999999970e-07  }
.LBB2_3:
0xae: {  	s1 =	sshrl.u32 s0, $0x2;
	s31 =	sadd.s32 $0x10, s31;
	v30 =	vmin.f32 v30, $1.000000000e+00;
	v20 =	vmax.f32 v20, $9.999999970e-07;
	v22 =	vadd.f32 v22, v7;
	s30 =	sadd.s32 $0x8, s30  }
0xaf: {  	v27 =	vmax.f32 v27, $9.999999970e-07;
	v14 =	vadd.f32 v14, v29;
	s5 =	sand.u32 $0x380, s30;
	s1 =	sand.u32 $0x7800, s1;
	p0 =	slt.u32 s31, $0x7F0;
	v28 =	vadd.f32 v28, v7  }
0xb0: {  	v26 =	vadd.f32 v26, v7;
	v29 =	vmax.f32 v15, $9.999999970e-07;
	s1 =	sor.u32 s5, s1;
	v15 =	vmax.f32 v22, $9.999999970e-07  }
0xb1: {  	v25 =	vmax.f32 v25, $9.999999970e-07;
	v21 =	vadd.f32 v30, v21;
	v14 =	vadd.f32 v16, v14;
	v22 =	vld [tilespmem:s1+$0x5C0]  }
0xb2: {  	v27 =	vmin.f32 v27, $1.000000000e+00;
	v25 =	vmin.f32 v25, $1.000000000e+00;
	v26 =	vmax.f32 v26, $9.999999970e-07;
	v16 =	vld [tilespmem:s1+$0x590]  }
0xb3: {  	v23 =	vmax.f32 v23, $9.999999970e-07;
	v31 =	vadd.f32 v9, v14;
	v9 =	vmin.f32 v18, $1.000000000e+00;
	v30 =	vld [tilespmem:s1+$0x5F0]  }
0xb4: {  	v23 =	vmin.f32 v23, $1.000000000e+00;
	v21 =	vadd.f32 v27, v21;
	v14 =	vmax.f32 v28, $9.999999970e-07;
	v18 =	vld [tilespmem:s1+$0x5D0]  }
0xb5: {  	v14 =	vmin.f32 v14, $1.000000000e+00;
	v28 =	vadd.f32 v10, v31;
	v10 =	vmin.f32 v15, $1.000000000e+00;
	v27 =	vld [tilespmem:s1+$0x1A0]  }
0xb6: {  	v19 =	vmin.f32 v19, $1.000000000e+00;
	v21 =	vadd.f32 v23, v21;
	v31 =	vld [tilespmem:s1+$0x1C0];
	v15 =	vmul.f32 v22, v6  }
0xb7: {  	v12 =	vmax.f32 v12, $9.999999970e-07;
	v26 =	vmin.f32 v26, $1.000000000e+00;
	v22 =	vmul.f32 v16, v6;
	v23 =	vld [tilespmem:s1+$0x5B0]  }
0xb8: {  	v11 =	vmin.f32 v11, $1.000000000e+00;
	v16 =	vmin.f32 v20, $1.000000000e+00;
	v32 =	vld [tilespmem:s1+$0x5A0];
	v33 =	vadd.f32 v15, v7  }
0xb9: {  	v20 =	vadd.f32 v26, v21;
	v21 =	vmin.f32 v12, $1.000000000e+00;
	v34 =	vld [tilespmem:s1+$0x1E0];
	v15 =	vadd.f32 v22, v7  }
0xba: {  	v24 =	vmax.f32 v24, $9.999999970e-07;
	v12 =	vmul.f32 v18, v6;
	v18 =	vmul.f32 v30, v6;
	v22 =	vld [tilespmem:s1+$0x1D0]  }
0xbb: {  	v24 =	vmin.f32 v24, $1.000000000e+00;
	v20 =	vadd.f32 v11, v20;
	v26 =	vmul.f32 v27, v6;
	v30 =	vld [tilespmem:s1+$0x1F0]  }
0xbc: {  	v29 =	vmin.f32 v29, $1.000000000e+00;
	v11 =	vmax.f32 v15, $9.999999970e-07;
	v15 =	vadd.f32 v12, v7;
	v27 =	vld [tilespmem:s1+$0x180]  }
0xbd: {  	v19 =	vadd.f32 v19, v20;
	v26 =	vadd.f32 v26, v7;
	v35 =	vld [tilespmem:s1+$0x190];
	v32 =	vmul.f32 v32, v6  }
0xbe: {  	v12 =	vadd.f32 v18, v7;
	v18 =	vadd.f32 v24, v28;
	v23 =	vmul.f32 v23, v6;
	v36 =	vld [tilespmem:s1+$0x1B0]  }
0xbf: {  	v19 =	vadd.f32 v29, v19;
	v24 =	vmax.f32 v26, $9.999999970e-07;
	v20 =	vadd.f32 v32, v7;
	v26 =	vld [tilespmem:s1+$0x5E0]  }
0xc0: {  	v28 =	vmul.f32 v31, v6;
	v29 =	vadd.f32 v13, v18;
	v23 =	vadd.f32 v23, v7  }
0xc1: {  	v13 =	vmin.f32 v24, $1.000000000e+00;
	v21 =	vadd.f32 v21, v19;
	v31 =	vmul.f32 v27, v6  }
0xc2: {  	v18 =	vmax.f32 v33, $9.999999970e-07;
	v22 =	vmul.f32 v22, v6;
	v24 =	vadd.f32 v17, v29  }
0xc3: {  	v19 =	vmax.f32 v23, $9.999999970e-07;
	v27 =	vadd.f32 v28, v7;
	v17 =	vmul.f32 v35, v6;
	v28 =	vld [tilespmem:s1+$0x580]  }
.Ltmp2:
0xc4: {  	v23 =	vadd.f32 v22, v7;
	v32 =	vmul.f32 v36, v6;
	v22 =	vmul.f32 v26, v6;
	(pc) =	sbr.rel @p0 .LBB2_3-.Ltmp2, $4  }
0xc5: {  	v33 =	vmul.f32 v34, v6;
	v26 =	vmax.f32 v27, $9.999999970e-07  }
0xc6: {  	v29 =	vadd.f32 v25, v24;
	v34 =	vadd.f32 v17, v7;
	v17 =	vmin.f32 v26, $1.000000000e+00  }
0xc7: {  	v25 =	vadd.f32 v33, v7;
	v27 =	vadd.f32 v32, v7;
	v26 =	vmul.f32 v30, v6  }
0xc8: {  	s0 =	sadd.s32 $0x2000, s0;
	v24 =	vadd.f32 v31, v7;
	v30 =	vmax.f32 v34, $9.999999970e-07;
	v28 =	vmul.f32 v28, v6  }
0xc9: {  	s30 =	sshll.u32 s29, $0x6;
	p0 =	seq.s32 s29, $0xF  }
0xca: {  	s0 =	sshrl.u32 @!p0 s30, $0x2  }
0xcb: {  	v31 =	vld.msk @!p0 [tilespmem:s0+$0x10], $0xff;
	_ =	sdelay $0x4  }
0xcc: {  	v32 =	vshll.u32 @!p0 v31, $0x5  }
0xcd: {  	v33 =	vlaneseq.u32 @!p0;
	v31 =	vand.u32 @!p0 $0x7, v31;
	v32 =	vand.u32 @!p0 $0xFFFFFF00, v32  }
0xce: {  	v31 =	vor.u32 @!p0 v31, v32;
	v32 =	vand.u32 @!p0 $0x7, v33;
	v33 =	vshrl.u32 @!p0 v33, $0x3  }
0xcf: {  	v31 =	vperm.xlane @!p0 v31, v32;
	v32 =	vmul.u32 @!p0 $0x8, v33;
	_ =	sdelay $0x1  }
0xd0: {  	v31 =	vadd.s32 @!p0 v32, v31;
	_ =	sdelay $0x3  }
0xd1: {  	vm1 =	vmmov @!p0 $0xffff;
	s1 =	simm.s32 @!p0 $0x180;
	s0 =	simm.s32 @!p0 $0x0  }
0xd2: {  	[tilespmem:s1], [sflag:$0x1] =	stream.indirect_vreg.gather @!p0 [hbm4b:s4+s0], $0x80, v31, vm1, $0xb8;
	[tilespmem:$0x10200] =	vst v63  }
0xd3: {  	s1 =	simm.s32 @!p0 $0x980  }
0xd4: {  	[tilespmem:s1], [sflag:$0x1] =	stream.indirect_vreg.gather @!p0 [hbm4b:s6+s0], $0x80, v31, vm1, $0xb8;
	[tilespmem:$0x10200] =	vst v63  }
0xd5: {  	s1 =	simm.s32 @!p0 $0x1180  }
0xd6: {  	[tilespmem:s1], [sflag:$0x1] =	stream.indirect_vreg.gather @!p0 [hbm4b:s7+s0], $0x80, v31, vm1, $0xb8;
	[tilespmem:$0x10200] =	vst v63  }
0xd7: {  	s1 =	simm.s32 @!p0 $0x1980  }
0xd8: {  	[tilespmem:s1], [sflag:$0x1] =	stream.indirect_vreg.gather @!p0 [hbm4b:s8+s0], $0x80, v31, vm1, $0xb8;
	[tilespmem:$0x10200] =	vst v63  }
0xd9: {  	s1 =	simm.s32 @!p0 $0x2180  }
0xda: {  	[tilespmem:s1], [sflag:$0x1] =	stream.indirect_vreg.gather @!p0 [hbm4b:s9+s0], $0x80, v31, vm1, $0xb8;
	[tilespmem:$0x10200] =	vst v63  }
0xdb: {  	s1 =	simm.s32 @!p0 $0x2980  }
0xdc: {  	[tilespmem:s1], [sflag:$0x1] =	stream.indirect_vreg.gather @!p0 [hbm4b:s10+s0], $0x80, v31, vm1, $0xb8;
	[tilespmem:$0x10200] =	vst v63  }
0xdd: {  	s1 =	simm.s32 @!p0 $0x3180  }
0xde: {  	[tilespmem:s1], [sflag:$0x1] =	stream.indirect_vreg.gather @!p0 [hbm4b:s11+s0], $0x80, v31, vm1, $0xb8;
	[tilespmem:$0x10200] =	vst v63  }
0xdf: {  	s1 =	simm.s32 @!p0 $0x3980  }
0xe0: {  	[tilespmem:s1], [sflag:$0x1] =	stream.indirect_vreg.gather @!p0 [hbm4b:s12+s0], $0x80, v31, vm1, $0xb8;
	[tilespmem:$0x10200] =	vst v63  }
0xe1: {  	s1 =	simm.s32 @!p0 $0x4180  }
0xe2: {  	[tilespmem:s1], [sflag:$0x1] =	stream.indirect_vreg.gather @!p0 [hbm4b:s13+s0], $0x80, v31, vm1, $0xb8;
	[tilespmem:$0x10200] =	vst v63  }
0xe3: {  	s1 =	simm.s32 @!p0 $0x4980  }
0xe4: {  	v14 =	vadd.f32 v14, v29;
	[tilespmem:s1], [sflag:$0x1] =	stream.indirect_vreg.gather @!p0 [hbm4b:s14+s0], $0x80, v31, vm1, $0xb8;
	[tilespmem:$0x10200] =	vst v63  }
0xe5: {  	s1 =	simm.s32 @!p0 $0x5180  }
0xe6: {  	v14 =	vadd.f32 v16, v14;
	[tilespmem:s1], [sflag:$0x1] =	stream.indirect_vreg.gather @!p0 [hbm4b:s15+s0], $0x80, v31, vm1, $0xb8;
	[tilespmem:$0x10200] =	vst v63  }
0xe7: {  	s1 =	simm.s32 @!p0 $0x5980  }
0xe8: {  	v9 =	vadd.f32 v9, v14;
	[tilespmem:s1], [sflag:$0x1] =	stream.indirect_vreg.gather @!p0 [hbm4b:s16+s0], $0x80, v31, vm1, $0xb8;
	[tilespmem:$0x10200] =	vst v63  }
0xe9: {  	s1 =	simm.s32 @!p0 $0x6180  }
0xea: {  	v14 =	vmin.f32 v30, $1.000000000e+00;
	v9 =	vadd.f32 v10, v9;
	v10 =	vmax.f32 v24, $9.999999970e-07;
	[tilespmem:s1], [sflag:$0x1] =	stream.indirect_vreg.gather @!p0 [hbm4b:s17+s0], $0x80, v31, vm1, $0xb8;
	[tilespmem:$0x10200] =	vst v63  }
0xeb: {  	v16 =	vmax.f32 v27, $9.999999970e-07;
	v14 =	vadd.f32 v14, v21;
	v10 =	vmin.f32 v10, $1.000000000e+00;
	s1 =	simm.s32 @!p0 $0x6980  }
0xec: {  	v16 =	vmin.f32 v16, $1.000000000e+00;
	v9 =	vadd.f32 v10, v9;
	[tilespmem:s1], [sflag:$0x1] =	stream.indirect_vreg.gather @!p0 [hbm4b:s18+s0], $0x80, v31, vm1, $0xb8;
	[tilespmem:$0x10200] =	vst v63  }
0xed: {  	v21 =	vmax.f32 v23, $9.999999970e-07;
	v14 =	vadd.f32 v16, v14;
	s1 =	simm.s32 @!p0 $0x7180  }
0xee: {  	v21 =	vmin.f32 v21, $1.000000000e+00;
	v10 =	vadd.f32 v26, v7;
	v9 =	vadd.f32 v13, v9;
	[tilespmem:s1], [sflag:$0x1] =	stream.indirect_vreg.gather @!p0 [hbm4b:s19+s0], $0x80, v31, vm1, $0xb8;
	[tilespmem:$0x10200] =	vst v63  }
0xef: {  	v16 =	vmax.f32 v25, $9.999999970e-07;
	v14 =	vadd.f32 v21, v14;
	s1 =	simm.s32 @!p0 $0x7980  }
0xf0: {  	v13 =	vadd.f32 v28, v7;
	v10 =	vmax.f32 v10, $9.999999970e-07;
	v9 =	vadd.f32 v17, v9;
	[tilespmem:s1], [sflag:$0x1] =	stream.indirect_vreg.gather @!p0 [hbm4b:s20+s0], $0x80, v31, vm1, $0xb8;
	[tilespmem:$0x10200] =	vst v63  }
0xf1: {  	s5 =	simm.s32 $0x0;
	s21 =	simm.s32 $0x0;
	v16 =	vmin.f32 v16, $1.000000000e+00;
	v10 =	vmin.f32 v10, $1.000000000e+00;
	_ =	swait.ge [sflag:s28], $0x8000  }
0xf2: {  	v13 =	vmax.f32 v13, $9.999999970e-07;
	v10 =	vadd.f32 v10, v14;
	v9 =	vadd.f32 v16, v9;
	s0 =	sand.u32 $0x380, s5;
	s1 =	sand.u32 $0x7800, s21;
	[sflag:s28] =	ssyncset.done $0x0  }
0xf3: {  	v11 =	vmin.f32 v11, $1.000000000e+00;
	v13 =	vmin.f32 v13, $1.000000000e+00;
	s0 =	sor.u32 s0, s1;
	[sflag:s28] =	ssyncadd.s32 $0xFFFF8000  }
0xf4: {  	v14 =	vmax.f32 v20, $9.999999970e-07;
	v10 =	vadd.f32 v11, v10;
	v9 =	vadd.f32 v13, v9;
	v11 =	vld [tilespmem:s0+$0x85C0]  }
0xf5: {  	v14 =	vmin.f32 v14, $1.000000000e+00;
	v16 =	vmin.f32 v19, $1.000000000e+00;
	v17 =	vld [tilespmem:s0+$0x8590]  }
0xf6: {  	v15 =	vmax.f32 v15, $9.999999970e-07;
	v10 =	vadd.f32 v16, v10;
	v9 =	vadd.f32 v14, v9;
	v14 =	vld [tilespmem:s0+$0x85F0]  }
0xf7: {  	v15 =	vmin.f32 v15, $1.000000000e+00;
	v13 =	vadd.f32 v22, v7;
	v16 =	vmin.f32 v18, $1.000000000e+00;
	v18 =	vld [tilespmem:s0+$0x81A0]  }
0xf8: {  	v12 =	vmax.f32 v12, $9.999999970e-07;
	v10 =	vadd.f32 v15, v10;
	v15 =	vld [tilespmem:s0+$0x85D0]  }
0xf9: {  	v12 =	vmin.f32 v12, $1.000000000e+00;
	v13 =	vmax.f32 v13, $9.999999970e-07;
	v9 =	vadd.f32 v16, v9;
	v16 =	vld [tilespmem:s0+$0x85B0]  }
0xfa: {  	v13 =	vmin.f32 v13, $1.000000000e+00;
	v10 =	vadd.f32 v12, v10;
	v12 =	vld [tilespmem:s0+$0x85A0]  }
0xfb: {  	v9 =	vadd.f32 v13, v9;
	v13 =	vld [tilespmem:s0+$0x81C0]  }
0xfc: {  	v20 =	vld [tilespmem:s0+$0x8180]  }
0xfd: {  	v19 =	vadd.f32 v10, v9;
	v9 =	vld [tilespmem:s0+$0x81D0];
	v11 =	vmul.f32 v11, v6;
	v17 =	vmul.f32 v17, v6  }
0xfe: {  	v22 =	vld [tilespmem:s0+$0x81B0];
	v10 =	vmul.f32 v18, v6;
	v15 =	vmul.f32 v15, v6  }
0xff: {  	v23 =	vld [tilespmem:s0+$0x81E0];
	v14 =	vmul.f32 v14, v6;
	v12 =	vmul.f32 v12, v6  }
0x100: {  	v24 =	vld [tilespmem:s0+$0x85E0];
	v18 =	vimm.f32 $0.0e+00;
	v16 =	vmul.f32 v16, v6;
	v13 =	vmul.f32 v13, v6  }
0x101: {  	v20 =	vmul.f32 v20, v6;
	v11 =	vadd.f32 v11, v7;
	v17 =	vadd.f32 v17, v7  }
0x102: {  	v9 =	vmul.f32 v9, v6;
	v10 =	vadd.f32 v10, v7;
	v15 =	vadd.f32 v15, v7  }
0x103: {  	v21 =	vld [tilespmem:s0+$0x8190];
	v22 =	vmul.f32 v22, v6;
	v14 =	vadd.f32 v14, v7;
	v12 =	vadd.f32 v12, v7  }
0x104: {  	v23 =	vmul.f32 v23, v6;
	v16 =	vadd.f32 v16, v7;
	v13 =	vadd.f32 v13, v7  }
0x105: {  	v25 =	vld [tilespmem:s0+$0x81F0];
	v24 =	vmul.f32 v24, v6;
	v9 =	vadd.f32 v9, v7;
	v20 =	vadd.f32 v20, v7  }
0x106: {  	v17 =	vmax.f32 v17, $9.999999970e-07;
	v10 =	vmax.f32 v10, $9.999999970e-07;
	v16 =	vmax.f32 v16, $9.999999970e-07  }
0x107: {  	v13 =	vmax.f32 v13, $9.999999970e-07;
	v14 =	vmax.f32 v14, $9.999999970e-07;
	v20 =	vmax.f32 v20, $9.999999970e-07  }
0x108: {  	v26 =	vmin.f32 v10, $1.000000000e+00;
	v10 =	vmax.f32 v11, $9.999999970e-07;
	v11 =	vmul.f32 v21, v6;
	v21 =	vld [tilespmem:s0+$0x8580]  }
0x109: {  	v27 =	vmin.f32 v13, $1.000000000e+00;
	v13 =	vadd.f32 v22, v7;
	v22 =	vadd.f32 v23, v7  }
0x10a: {  	v23 =	vmul.f32 v25, v6;
	v25 =	vmax.f32 v12, $9.999999970e-07;
	v12 =	vadd.f32 v24, v7  }
0x10b: {  	s31 =	simm.s32 $0x8;
	s5 =	simm.s32 $0x800;
	v24 =	vmax.f32 v15, $9.999999970e-07;
	v20 =	vmin.f32 v20, $1.000000000e+00;
	v11 =	vadd.f32 v11, v7  }
0x10c: {  	s21 =	sand.u32 $0x380, s31;
	s0 =	sand.u32 $0x7800, s5;
	v17 =	vmin.f32 v17, $1.000000000e+00;
	v19 =	vadd.f32 v20, v19;
	v13 =	vmax.f32 v13, $9.999999970e-07  }
0x10d: {  	s0 =	sor.u32 s21, s0;
	v23 =	vadd.f32 v23, v7;
	v11 =	vmax.f32 v11, $9.999999970e-07;
	v21 =	vmul.f32 v21, v6  }
0x10e: {  	v15 =	vld [tilespmem:s0+$0x85C0];
	v28 =	vmax.f32 v12, $9.999999970e-07;
	v12 =	vmax.f32 v22, $9.999999970e-07;
	v11 =	vmin.f32 v11, $1.000000000e+00  }
0x10f: {  	v13 =	vmin.f32 v13, $1.000000000e+00;
	v11 =	vadd.f32 v11, v18;
	v18 =	vld [tilespmem:s0+$0x8590];
	v21 =	vadd.f32 v21, v7  }
0x110: {  	v29 =	vld [tilespmem:s0+$0x85F0];
	v22 =	vmin.f32 v12, $1.000000000e+00;
	v12 =	vmax.f32 v9, $9.999999970e-07;
	v9 =	vmin.f32 v10, $1.000000000e+00  }
0x111: {  	v10 =	vmin.f32 v28, $1.000000000e+00;
	v11 =	vadd.f32 v13, v11;
	v13 =	vmax.f32 v21, $9.999999970e-07;
	v21 =	vld [tilespmem:s0+$0x85D0]  }
0x112: {  	v19 =	vadd.f32 v26, v19;
	v26 =	vld [tilespmem:s0+$0x81F0];
	v23 =	vmax.f32 v23, $9.999999970e-07;
	v30 =	vmin.f32 v12, $1.000000000e+00  }
0x113: {  	v15 =	vmul.f32 v15, v6;
	v12 =	vmin.f32 v13, $1.000000000e+00;
	v13 =	vld [tilespmem:s0+$0x81A0];
	v11 =	vadd.f32 v30, v11  }
0x114: {  	v28 =	vmin.f32 v16, $1.000000000e+00;
	v16 =	vmul.f32 v18, v6;
	v18 =	vmin.f32 v23, $1.000000000e+00;
	v23 =	vld [tilespmem:s0+$0x85A0]  }
0x115: {  	v31 =	vld [tilespmem:s0+$0x85B0];
	v30 =	vadd.f32 v15, v7;
	v15 =	vmin.f32 v25, $1.000000000e+00;
	v11 =	vadd.f32 v18, v11  }
0x116: {  	v25 =	vmin.f32 v14, $1.000000000e+00;
	v18 =	vld [tilespmem:s0+$0x81C0];
	v16 =	vadd.f32 v16, v7;
	v14 =	vmul.f32 v21, v6  }
0x117: {  	v61 =	vld [tilespmem:s0+$0x81D0];
	v26 =	vmul.f32 v26, v6;
	v21 =	vmul.f32 v29, v6;
	v17 =	vadd.f32 v17, v11  }
0x118: {  	v34 =	vld [tilespmem:s0+$0x8190];
	v13 =	vmul.f32 v13, v6;
	v11 =	vmax.f32 v16, $9.999999970e-07;
	v16 =	vadd.f32 v14, v7  }
0x119: {  	v29 =	vld [tilespmem:s0+$0x8180];
	v14 =	vmin.f32 v24, $1.000000000e+00;
	v23 =	vmul.f32 v23, v6;
	v17 =	vadd.f32 v28, v17  }
0x11a: {  	v28 =	vmul.f32 v31, v6;
	v31 =	vld [tilespmem:s0+$0x81B0];
	v24 =	vadd.f32 v13, v7;
	v13 =	vadd.f32 v21, v7  }
0x11b: {  	v60 =	vld [tilespmem:s0+$0x81E0];
	v20 =	vadd.f32 v23, v7;
	v17 =	vadd.f32 v14, v17;
	v23 =	vmul.f32 v18, v6  }
0x11c: {  	v62 =	vld [tilespmem:s0+$0x8580];
	v28 =	vadd.f32 v28, v7;
	v18 =	vmax.f32 v30, $9.999999970e-07;
	v21 =	vmax.f32 v24, $9.999999970e-07  }
0x11d: {  	v24 =	vld [tilespmem:s0+$0x85E0];
	v14 =	vmin.f32 v21, $1.000000000e+00;
	v21 =	vadd.f32 v25, v17;
	v17 =	vmul.f32 v61, v6  }
0x11e: {  	v25 =	vadd.f32 v27, v19;
	v27 =	vmul.f32 v34, v6;
	v30 =	vadd.f32 v23, v7  }
0x11f: {  	v29 =	vmul.f32 v29, v6;
	v19 =	vmax.f32 v28, $9.999999970e-07;
	v31 =	vmul.f32 v31, v6  }
0x120: {  	v23 =	vadd.f32 v17, v7;
	v17 =	vmax.f32 v30, $9.999999970e-07;
	v63 =	vadd.f32 v27, v7  }
0x121: {  	v30 =	vmul.f32 v60, v6;
	v28 =	vadd.f32 v22, v25;
	v22 =	vadd.f32 v29, v7  }
0x122: {  	v29 =	vmul.f32 v62, v6;
	v17 =	vmin.f32 v17, $1.000000000e+00;
	v24 =	vmul.f32 v24, v6  }
0x123: {  	s1 =	simm.s32 $0x4000;
	s0 =	simm.s32 $0x10;
	v27 =	vadd.f32 v31, v7;
	v25 =	vadd.f32 v30, v7;
	v30 =	vmax.f32 v63, $9.999999970e-07  }
.LBB2_5:
0x124: {  	s5 =	sshrl.u32 s1, $0x2;
	s0 =	sadd.s32 $0x10, s0;
	v30 =	vmin.f32 v30, $1.000000000e+00;
	v20 =	vmax.f32 v20, $9.999999970e-07;
	v24 =	vadd.f32 v24, v7;
	s31 =	sadd.s32 $0x8, s31  }
0x125: {  	v27 =	vmax.f32 v27, $9.999999970e-07;
	v12 =	vadd.f32 v12, v28;
	s21 =	sand.u32 $0x380, s31;
	s5 =	sand.u32 $0x7800, s5;
	p1 =	slt.u32 s0, $0x7F0;
	v29 =	vadd.f32 v29, v7  }
0x126: {  	v26 =	vadd.f32 v26, v7;
	v28 =	vmax.f32 v16, $9.999999970e-07;
	s5 =	sor.u32 s21, s5;
	v16 =	vmax.f32 v24, $9.999999970e-07  }
0x127: {  	v25 =	vmax.f32 v25, $9.999999970e-07;
	v21 =	vadd.f32 v30, v21;
	v12 =	vadd.f32 v15, v12;
	v24 =	vld [tilespmem:s5+$0x85C0]  }
0x128: {  	v27 =	vmin.f32 v27, $1.000000000e+00;
	v25 =	vmin.f32 v25, $1.000000000e+00;
	v26 =	vmax.f32 v26, $9.999999970e-07;
	v15 =	vld [tilespmem:s5+$0x8590]  }
0x129: {  	v23 =	vmax.f32 v23, $9.999999970e-07;
	v31 =	vadd.f32 v9, v12;
	v9 =	vmin.f32 v18, $1.000000000e+00;
	v30 =	vld [tilespmem:s5+$0x85F0]  }
0x12a: {  	v23 =	vmin.f32 v23, $1.000000000e+00;
	v21 =	vadd.f32 v27, v21;
	v12 =	vmax.f32 v29, $9.999999970e-07;
	v18 =	vld [tilespmem:s5+$0x85D0]  }
0x12b: {  	v12 =	vmin.f32 v12, $1.000000000e+00;
	v29 =	vadd.f32 v10, v31;
	v10 =	vmin.f32 v16, $1.000000000e+00;
	v27 =	vld [tilespmem:s5+$0x81A0]  }
0x12c: {  	v19 =	vmin.f32 v19, $1.000000000e+00;
	v21 =	vadd.f32 v23, v21;
	v31 =	vld [tilespmem:s5+$0x81C0];
	v16 =	vmul.f32 v24, v6  }
0x12d: {  	v13 =	vmax.f32 v13, $9.999999970e-07;
	v26 =	vmin.f32 v26, $1.000000000e+00;
	v23 =	vmul.f32 v15, v6;
	v24 =	vld [tilespmem:s5+$0x85B0]  }
0x12e: {  	v11 =	vmin.f32 v11, $1.000000000e+00;
	v15 =	vmin.f32 v20, $1.000000000e+00;
	v32 =	vld [tilespmem:s5+$0x85A0];
	v33 =	vadd.f32 v16, v7  }
0x12f: {  	v20 =	vadd.f32 v26, v21;
	v21 =	vmin.f32 v13, $1.000000000e+00;
	v34 =	vld [tilespmem:s5+$0x81E0];
	v16 =	vadd.f32 v23, v7  }
0x130: {  	v22 =	vmax.f32 v22, $9.999999970e-07;
	v13 =	vmul.f32 v18, v6;
	v18 =	vmul.f32 v30, v6;
	v23 =	vld [tilespmem:s5+$0x81D0]  }
0x131: {  	v22 =	vmin.f32 v22, $1.000000000e+00;
	v20 =	vadd.f32 v11, v20;
	v26 =	vmul.f32 v27, v6;
	v30 =	vld [tilespmem:s5+$0x81F0]  }
0x132: {  	v28 =	vmin.f32 v28, $1.000000000e+00;
	v11 =	vmax.f32 v16, $9.999999970e-07;
	v16 =	vadd.f32 v13, v7;
	v27 =	vld [tilespmem:s5+$0x8180]  }
0x133: {  	v19 =	vadd.f32 v19, v20;
	v26 =	vadd.f32 v26, v7;
	v35 =	vld [tilespmem:s5+$0x8190];
	v32 =	vmul.f32 v32, v6  }
0x134: {  	v13 =	vadd.f32 v18, v7;
	v18 =	vadd.f32 v22, v29;
	v24 =	vmul.f32 v24, v6;
	v36 =	vld [tilespmem:s5+$0x81B0]  }
0x135: {  	v19 =	vadd.f32 v28, v19;
	v22 =	vmax.f32 v26, $9.999999970e-07;
	v20 =	vadd.f32 v32, v7;
	v26 =	vld [tilespmem:s5+$0x85E0]  }
0x136: {  	v28 =	vmul.f32 v31, v6;
	v29 =	vadd.f32 v14, v18;
	v24 =	vadd.f32 v24, v7  }
0x137: {  	v14 =	vmin.f32 v22, $1.000000000e+00;
	v21 =	vadd.f32 v21, v19;
	v31 =	vmul.f32 v27, v6  }
0x138: {  	v18 =	vmax.f32 v33, $9.999999970e-07;
	v22 =	vmul.f32 v23, v6;
	v27 =	vadd.f32 v17, v29  }
0x139: {  	v28 =	vadd.f32 v28, v7;
	v19 =	vmax.f32 v24, $9.999999970e-07;
	v17 =	vmul.f32 v35, v6;
	v29 =	vld [tilespmem:s5+$0x8580]  }
.Ltmp3:
0x13a: {  	v23 =	vadd.f32 v22, v7;
	v32 =	vmul.f32 v36, v6;
	v24 =	vmul.f32 v26, v6;
	(pc) =	sbr.rel @p1 .LBB2_5-.Ltmp3, $4  }
0x13b: {  	v22 =	vmax.f32 v28, $9.999999970e-07;
	v26 =	vmul.f32 v34, v6  }
0x13c: {  	v28 =	vadd.f32 v25, v27;
	v33 =	vadd.f32 v17, v7;
	v17 =	vmin.f32 v22, $1.000000000e+00  }
0x13d: {  	v27 =	vadd.f32 v32, v7;
	v25 =	vadd.f32 v26, v7;
	v26 =	vmul.f32 v30, v6  }
0x13e: {  	s1 =	sadd.s32 $0x2000, s1;
	v22 =	vadd.f32 v31, v7;
	v30 =	vmax.f32 v33, $9.999999970e-07;
	v29 =	vmul.f32 v29, v6  }
0x13f: {  	v12 =	vadd.f32 v12, v28;
	_ =	sdelay $0x1  }
0x140: {  	v12 =	vadd.f32 v15, v12;
	_ =	sdelay $0x1  }
0x141: {  	v9 =	vadd.f32 v9, v12;
	_ =	sdelay $0x1  }
0x142: {  	v12 =	vmin.f32 v30, $1.000000000e+00;
	v9 =	vadd.f32 v10, v9;
	v10 =	vmax.f32 v22, $9.999999970e-07  }
0x143: {  	v15 =	vmax.f32 v27, $9.999999970e-07;
	v12 =	vadd.f32 v12, v21;
	v10 =	vmin.f32 v10, $1.000000000e+00  }
0x144: {  	v15 =	vmin.f32 v15, $1.000000000e+00;
	v9 =	vadd.f32 v10, v9  }
0x145: {  	v63 =	vmax.f32 v23, $9.999999970e-07;
	v12 =	vadd.f32 v15, v12  }
0x146: {  	v21 =	vmin.f32 v63, $1.000000000e+00;
	v10 =	vadd.f32 v26, v7;
	v9 =	vadd.f32 v14, v9  }
0x147: {  	v15 =	vmax.f32 v25, $9.999999970e-07;
	v12 =	vadd.f32 v21, v12  }
0x148: {  	v14 =	vadd.f32 v29, v7;
	v10 =	vmax.f32 v10, $9.999999970e-07;
	v9 =	vadd.f32 v17, v9  }
0x149: {  	v15 =	vmin.f32 v15, $1.000000000e+00;
	v10 =	vmin.f32 v10, $1.000000000e+00  }
0x14a: {  	v14 =	vmax.f32 v14, $9.999999970e-07;
	v10 =	vadd.f32 v10, v12;
	v9 =	vadd.f32 v15, v9  }
0x14b: {  	v11 =	vmin.f32 v11, $1.000000000e+00;
	v12 =	vmin.f32 v14, $1.000000000e+00  }
0x14c: {  	v14 =	vmax.f32 v20, $9.999999970e-07;
	v10 =	vadd.f32 v11, v10;
	v9 =	vadd.f32 v12, v9  }
0x14d: {  	v11 =	vadd.f32 v24, v7;
	v14 =	vmin.f32 v14, $1.000000000e+00;
	v12 =	vmin.f32 v19, $1.000000000e+00  }
0x14e: {  	v15 =	vmax.f32 v16, $9.999999970e-07;
	v10 =	vadd.f32 v12, v10;
	v9 =	vadd.f32 v14, v9  }
0x14f: {  	v13 =	vmax.f32 v13, $9.999999970e-07;
	v12 =	vmin.f32 v18, $1.000000000e+00;
	v14 =	vmin.f32 v15, $1.000000000e+00  }
0x150: {  	v11 =	vmax.f32 v11, $9.999999970e-07;
	v10 =	vadd.f32 v14, v10;
	v9 =	vadd.f32 v12, v9  }
.Ltmp4:
0x151: {  	v11 =	vmin.f32 v11, $1.000000000e+00;
	v12 =	vmin.f32 v13, $1.000000000e+00;
	(pc) =	sbr.rel @p0 .LBB2_8-.Ltmp4, $2  }
0x152: {  	v10 =	vadd.f32 v12, v10;
	v9 =	vadd.f32 v11, v9;
	_ =	sdelay $0x1  }
0x153: {  	v13 =	vadd.f32 v10, v9;
	_ =	sdelay $0x1  }
0x154: {  	s0 =	sshrl.u32 s30, $0x2  }
0x155: {  	v9 =	vld.msk [tilespmem:s0+$0x18], $0xff;
	_ =	sdelay $0x4  }
0x156: {  	v10 =	vshll.u32 v9, $0x5  }
0x157: {  	v9 =	vand.u32 $0x7, v9;
	v10 =	vand.u32 $0xFFFFFF00, v10  }
0x158: {  	v9 =	vor.u32 v9, v10  }
0x159: {  	v9 =	vperm.xlane v9, v4;
	_ =	sdelay $0x1  }
0x15a: {  	v9 =	vadd.s32 v5, v9;
	_ =	sdelay $0x3  }
0x15b: {  	s31 =	simm.s32 $0x8180  }
0x15c: {  	[tilespmem:s31], [sflag:$0x2] =	stream.indirect_vreg.gather [hbm4b:s4+s3], $0x80, v9, vm0, $0xb8;
	[tilespmem:$0x10200] =	vst v63  }
0x15d: {  	s1 =	simm.s32 $0x8980  }
0x15e: {  	[tilespmem:s1], [sflag:$0x2] =	stream.indirect_vreg.gather [hbm4b:s6+s3], $0x80, v9, vm0, $0xb8;
	[tilespmem:$0x10200] =	vst v63  }
0x15f: {  	s5 =	simm.s32 $0x9180  }
0x160: {  	[tilespmem:s5], [sflag:$0x2] =	stream.indirect_vreg.gather [hbm4b:s7+s3], $0x80, v9, vm0, $0xb8;
	[tilespmem:$0x10200] =	vst v63  }
0x161: {  	s21 =	simm.s32 $0x9980  }
0x162: {  	[tilespmem:s21], [sflag:$0x2] =	stream.indirect_vreg.gather [hbm4b:s8+s3], $0x80, v9, vm0, $0xb8;
	[tilespmem:$0x10200] =	vst v63  }
0x163: {  	s30 =	simm.s32 $0xA180  }
0x164: {  	[tilespmem:s30], [sflag:$0x2] =	stream.indirect_vreg.gather [hbm4b:s9+s3], $0x80, v9, vm0, $0xb8;
	[tilespmem:$0x10200] =	vst v63  }
0x165: {  	s31 =	simm.s32 $0xA980  }
0x166: {  	[tilespmem:s31], [sflag:$0x2] =	stream.indirect_vreg.gather [hbm4b:s10+s3], $0x80, v9, vm0, $0xb8;
	[tilespmem:$0x10200] =	vst v63  }
0x167: {  	s1 =	simm.s32 $0xB180  }
0x168: {  	[tilespmem:s1], [sflag:$0x2] =	stream.indirect_vreg.gather [hbm4b:s11+s3], $0x80, v9, vm0, $0xb8;
	[tilespmem:$0x10200] =	vst v63  }
0x169: {  	s5 =	simm.s32 $0xB980  }
0x16a: {  	[tilespmem:s5], [sflag:$0x2] =	stream.indirect_vreg.gather [hbm4b:s12+s3], $0x80, v9, vm0, $0xb8;
	[tilespmem:$0x10200] =	vst v63  }
0x16b: {  	s21 =	simm.s32 $0xC180  }
0x16c: {  	[tilespmem:s21], [sflag:$0x2] =	stream.indirect_vreg.gather [hbm4b:s13+s3], $0x80, v9, vm0, $0xb8;
	[tilespmem:$0x10200] =	vst v63  }
0x16d: {  	s30 =	simm.s32 $0xC980  }
0x16e: {  	[tilespmem:s30], [sflag:$0x2] =	stream.indirect_vreg.gather [hbm4b:s14+s3], $0x80, v9, vm0, $0xb8;
	[tilespmem:$0x10200] =	vst v63  }
0x16f: {  	s31 =	simm.s32 $0xD180  }
0x170: {  	[tilespmem:s31], [sflag:$0x2] =	stream.indirect_vreg.gather [hbm4b:s15+s3], $0x80, v9, vm0, $0xb8;
	[tilespmem:$0x10200] =	vst v63  }
0x171: {  	_ = 	snop  }
0x172: {  	[tilespmem:s22], [sflag:$0x2] =	stream.indirect_vreg.gather [hbm4b:s16+s3], $0x80, v9, vm0, $0xb8;
	[tilespmem:$0x10200] =	vst v63  }
0x173: {  	_ = 	snop  }
0x174: {  	[tilespmem:s24], [sflag:$0x2] =	stream.indirect_vreg.gather [hbm4b:s17+s3], $0x80, v9, vm0, $0xb8;
	[tilespmem:$0x10200] =	vst v63  }
0x175: {  	_ = 	snop  }
0x176: {  	[tilespmem:s23], [sflag:$0x2] =	stream.indirect_vreg.gather [hbm4b:s18+s3], $0x80, v9, vm0, $0xb8;
	[tilespmem:$0x10200] =	vst v63  }
.Ltmp5:
0x177: {  	_ = 	snop;
	(pc) =	sbr.rel .LBB2_2-.Ltmp5, $4  }
0x178: {  	_ = 	snop  }
0x179: {  	[tilespmem:s2], [sflag:$0x2] =	stream.indirect_vreg.gather [hbm4b:s19+s3], $0x80, v9, vm0, $0xb8;
	[tilespmem:$0x10200] =	vst v63  }
0x17a: {  	s29 =	sadd.s32 $0x1, s29  }
0x17b: {  	[tilespmem:s25], [sflag:$0x2] =	stream.indirect_vreg.gather [hbm4b:s20+s3], $0x80, v9, vm0, $0xb8;
	[tilespmem:$0x10200] =	vst v63  }
.LBB2_9:
0x17c: {  	_ =	sfence.sel $0x180000  }
0x17d: {  	[bflag:$0x0] =	sbarrier.arrive $0xFFFF  }
0x17e: {  	_ =	strace $0x90000047  }
0x17f: {  	s0 =	stileid.u32;
	[bflag:$0x2] =	sbarrier.arrive $0xFFFF  }
0x180: {  	p0 =	sne.s32 s0, $0x0;
	s0 =	rddreg [dreg:$0x3]  }
0x181: {  	s0 =	sadd.s32 @!p0 $0x100000, s0  }
0x182: {  	[sflag:s0] =	ssyncadd.tile.s32 @!p0 $0x1;
	_ =	shalt  }
.Lfunc_end2:
_tile_overlayer_lowered:
.L_overlay_start_2:
0x183: {  	(tag) =	ssettag $0x2  }
0x184: {  	s0 =	rddreg [dreg:$0x0];
	s2 =	stileid.u32  }
0x185: {  	s1 =	rddreg [dreg:$0x1];
	p0 =	sne.s32 s2, $0x0  }
0x186: {  	s3 =	rddreg [dreg:$0x2];
	[bflag:$0x3] =	sbarrier.arrive $0xFFFF;
	s2 =	simm.s32 @!p0 $0x1C03  }
0x187: {  	[timem:s3], [sflag:s2] =	dma.local @!p0 [hbm:s0], s1  }
0x188: {  	s0 =	simm.s32 @!p0 $0x3  }
0x189: {  	_ =	swait.ge @!p0 [sflag:s0], s1  }
0x18a: {  	s1 =	ssub.s32 @!p0 $0x0, s1;
	[sflag:s0] =	ssyncset.done @!p0 $0x0  }
0x18b: {  	[sflag:s0] =	ssyncadd.s32 @!p0 s1  }
0x18c: {  	[bflag:$0x3] =	sbarrier.arrive $0xFFFF  }
0x18d: {  	_ =	shalt  }

// kernel: kernel.7.cloned.1.call-start
scs
__scs_entry_jumppad:
0x0: {  	(pc) =	sbr.rel $0x88, $3  }
0x1: {  	(tag) =	ssettag $0x0;
	lr =	simm.s32 $0x1  }
0x2: {  	[smem:$0x3F9E] =	sst lr;
	_ =	strace $0xD0000000  }
0x3: {  	_ = 	snop  }
0x4: {  	_ = 	snop  }
0x5: {  	_ = 	snop  }
0x6: {  	_ = 	snop  }
0x7: {  	_ = 	snop  }
__scs_overlays_trampoline_lowered:
0x8: {  	[smem:$0x3FAD] =	sst s0  }
0x9: {  	[smem:$0x3FAE] =	sst s1  }
0xa: {  	[smem:$0x3FAF] =	sst s2  }
0xb: {  	[smem:$0x3FB0] =	sst s3  }
0xc: {  	[smem:$0x3FB1] =	sst s4  }
0xd: {  	[smem:$0x3FB2] =	sst s5  }
0xe: {  	[smem:$0x3FB3] =	sst s6  }
0xf: {  	[smem:$0x3FB4] =	sst s7  }
0x10: {  	[smem:$0x3FB5] =	sst s8  }
0x11: {  	[smem:$0x3FB6] =	sst s9;
	s0 =	simm.s32 @!p0 $0x0  }
0x12: {  	s1 =	sld [smem:$0x3F9C];
	s0 =	simm.s32 @p0 $0x1  }
0x13: {  	[smem:$0x3FB7] =	sst s0;
	s0 =	simm.s32 @!p1 $0x0  }
0x14: {  	s2 =	sld [smem:$0x3F9B];
	s0 =	simm.s32 @p1 $0x1  }
0x15: {  	[smem:$0x3FB8] =	sst s0;
	s0 =	simm.s32 @!p2 $0x0  }
0x16: {  	s3 =	sld [smem:$0x3FDB];
	s0 =	simm.s32 @p2 $0x1  }
0x17: {  	s4 =	simm.s32 $0x1BF5;
	[smem:$0x3FBA] =	sst s0  }
0x18: {  	s0 =	sld [smem:$0x3F9D];
	_ =	swait.ge [sflag:s4], $0x0  }
0x19: {  	s7 =	sld [smem:$0x3F9E]  }
0x1a: {  	s8 =	sadd.s32 $0xFFFFE003, lr  }
0x1b: {  	s9 =	sadd.s32 $0xFFFFFEF7, lr;
	s5 =	simm.s32 $0xFFFFFFFF;
	p2 =	slt.u32 s8, $0xFFFFF086  }
0x1c: {  	p1 =	slt.u32 s9, $0xF7A;
	s5 =	simm.s32 @!p2 $0x0  }
0x1d: {  	s5 =	simm.s32 @p1 $0x1;
	p0 =	seq.s32 s7, s2  }
0x1e: {  	s7 =	smul.u32 @!p0 $0xF7A, s2;
	p2 =	seq.s32 @!p0 s5, $0x0  }
0x1f: {  	s9 =	smul.u32 $0xF7A, s1;
	s8 =	simm.s32 @!p0 $0x1BF5;
	p2 =	por !p2, p0  }
0x20: {  	[sflag:s8] =	ssyncset.s32 @!p0 $0xFFFFF086;
	s6 =	sadd.s32 @!p0 s3, s7;
	s7 =	simm.s32 @!p0 $0x108  }
0x21: {  	s3 =	sadd.s32 s3, s9;
	s6 =	sadd.s32 @!p0 $0x88, s6;
	s7 =	simm.s32 @p2 $0x1082  }
0x22: {  	[simem:s7], [sflag:s8] =	dma.local @!p0 [hbm:s6], $0xF7A  }
0x23: {  	s9 =	sor.u32 $0xD0000000, s2;
	s6 =	simm.s32 $0x108;
	_ =	swait.ge @!p0 [sflag:s8], $0x0  }
0x24: {  	s3 =	sadd.s32 $0x88, s3;
	s6 =	simm.s32 @!p1 $0x1082;
	[sflag:s4] =	ssyncset.s32 $0xFFFFF086  }
0x25: {  	[simem:s6], [sflag:s4] =	dma.local [hbm:s3], $0xF7A  }
0x26: {  	[smem:$0x3F9E] =	sst s1;
	(tag) =	ssettag s2;
	_ =	strace s9  }
0x27: {  	s1 =	sld [smem:$0x3FAE]  }
0x28: {  	s2 =	sld [smem:$0x3FAF]  }
0x29: {  	s4 =	sld [smem:$0x3FB1]  }
0x2a: {  	p0 =	seq.s32 s5, $0x0;
	s5 =	sld [smem:$0x3FB2]  }
0x2b: {  	s6 =	sld [smem:$0x3FB3]  }
0x2c: {  	s7 =	sld [smem:$0x3FB4]  }
0x2d: {  	s3 =	simm.s32 $0x108;
	s8 =	sld [smem:$0x3FB5]  }
0x2e: {  	s3 =	simm.s32 @!p0 $0x1082;
	s9 =	sld [smem:$0x3FB6]  }
0x2f: {  	lr =	sadd.s32 s0, s3;
	s0 =	sld [smem:$0x3FAD]  }
0x30: {  	s3 =	sld [smem:$0x3FB0]  }
0x31: {  	[smem:$0x3FB9] =	sst s10  }
0x32: {  	s10 =	sld [smem:$0x3FB7];
	_ =	sdelay $0x3  }
0x33: {  	p0 =	seq.s32 s10, $0x1;
	s10 =	sld [smem:$0x3FB9];
	_ =	sdelay $0x3  }
0x34: {  	[smem:$0x3FB9] =	sst s10  }
0x35: {  	s10 =	sld [smem:$0x3FB8];
	_ =	sdelay $0x3  }
0x36: {  	p1 =	seq.s32 s10, $0x1;
	s10 =	sld [smem:$0x3FB9];
	_ =	sdelay $0x3  }
0x37: {  	[smem:$0x3FB9] =	sst s10  }
0x38: {  	s10 =	sld [smem:$0x3FBA]  }
0x39: {  	_ = 	snop;
	(pc) =	sbr.ind lr, $3  }
0x3a: {  	_ = 	snop  }
0x3b: {  	_ = 	snop  }
0x3c: {  	p2 =	seq.s32 s10, $0x1;
	s10 =	sld [smem:$0x3FB9]  }
0x3d: {  	_ =	shalt  }
0x3e: {  	_ =	shalt  }
0x3f: {  	_ =	shalt  }
0x40: {  	_ =	shalt  }
0x41: {  	_ =	shalt  }
0x42: {  	_ =	shalt  }
0x43: {  	_ =	shalt  }
0x44: {  	_ =	shalt  }
0x45: {  	_ =	shalt  }
0x46: {  	_ =	shalt  }
0x47: {  	_ =	shalt  }
0x48: {  	_ =	shalt  }
0x49: {  	_ =	shalt  }
0x4a: {  	_ =	shalt  }
0x4b: {  	_ =	shalt  }
0x4c: {  	_ =	shalt  }
0x4d: {  	_ =	shalt  }
0x4e: {  	_ =	shalt  }
0x4f: {  	_ =	shalt  }
0x50: {  	_ =	shalt  }
0x51: {  	_ =	shalt  }
0x52: {  	_ =	shalt  }
0x53: {  	_ =	shalt  }
0x54: {  	_ =	shalt  }
0x55: {  	_ =	shalt  }
0x56: {  	_ =	shalt  }
0x57: {  	_ =	shalt  }
0x58: {  	_ =	shalt  }
0x59: {  	_ =	shalt  }
0x5a: {  	_ =	shalt  }
0x5b: {  	_ =	shalt  }
0x5c: {  	_ =	shalt  }
0x5d: {  	_ =	shalt  }
0x5e: {  	_ =	shalt  }
0x5f: {  	_ =	shalt  }
0x60: {  	_ =	shalt  }
0x61: {  	_ =	shalt  }
0x62: {  	_ =	shalt  }
0x63: {  	_ =	shalt  }
0x64: {  	_ =	shalt  }
0x65: {  	_ =	shalt  }
0x66: {  	_ =	shalt  }
0x67: {  	_ =	shalt  }
0x68: {  	_ =	shalt  }
0x69: {  	_ =	shalt  }
0x6a: {  	_ =	shalt  }
0x6b: {  	_ =	shalt  }
0x6c: {  	_ =	shalt  }
0x6d: {  	_ =	shalt  }
0x6e: {  	_ =	shalt  }
0x6f: {  	_ =	shalt  }
0x70: {  	_ =	shalt  }
0x71: {  	_ =	shalt  }
0x72: {  	_ =	shalt  }
0x73: {  	_ =	shalt  }
0x74: {  	_ =	shalt  }
0x75: {  	_ =	shalt  }
0x76: {  	_ =	shalt  }
0x77: {  	_ =	shalt  }
0x78: {  	_ =	shalt  }
0x79: {  	_ =	shalt  }
0x7a: {  	_ =	shalt  }
0x7b: {  	_ =	shalt  }
0x7c: {  	_ =	shalt  }
0x7d: {  	_ =	shalt  }
0x7e: {  	_ =	shalt  }
0x7f: {  	_ =	shalt  }
0x80: {  	_ =	shalt  }
0x81: {  	_ =	shalt  }
0x82: {  	_ =	shalt  }
0x83: {  	_ =	shalt  }
0x84: {  	_ =	shalt  }
0x85: {  	_ =	shalt  }
0x86: {  	_ =	shalt  }
0x87: {  	_ =	shalt  }
.Lfunc_end0:
.L_simem_size_0:
called_computation.1_lowered:
.L_overlay_start_0:
0x88: {  	s2 =	sld [smem:$0x3FD9]  }
0x89: {  	s3 =	sld [smem:$0x3FFE];
	_ =	sdelay $0x1  }
0x8a: {  	s1 =	srdreg.scid  }
0x8b: {  	s0 =	sand.u32 $0x1, s1  }
0x8c: {  	s17 =	sshll.u32 s0, $0xA;
	s2 =	sadd.s32 s3, s2  }
0x8d: {  	s2 =	sadd.s32 s2, s17  }
0x8e: {  	[smem:$0x3FC5] =	sst s2  }
0x8f: {  	_ = 	snop  }
0x90: {  	s2 =	sld [smem:$0x3FC7]  }
0x91: {  	s18 =	sld [smem:$0x3FD0];
	(tm) =	ssettm $0x1  }
0x92: {  	s4 =	sld [smem:$0x3FFB];
	_ =	sdelay $0x3  }
0x93: {  	_ =	strace s4  }
0x94: {  	s4 =	sld [smem:$0x3FFC];
	_ =	sdelay $0x3  }
0x95: {  	_ =	strace s4  }
0x96: {  	s4 =	sld [smem:$0x3FFD];
	_ =	sdelay $0x3  }
0x97: {  	_ =	strace s4  }
0x98: {  	_ =	strace $0x8FFFFFFF  }
0x99: {  	s19 =	sld [smem:$0x3FDB];
	_ =	sdelay $0x1  }
0x9a: {  	s5 =	simm.s32 $_scs_section_size  }
0x9b: {  	s6 =	simm.s32 $_size__tile_overlayer_lowered;
	s7 =	simm.s32 $_tile_overlayer_lowered  }
0x9c: {  	s22 =	simm.s32 $0x1BFF;
	s21 =	sshll.u32 s7, $0x1;
	s4 =	sadd.s32 s5, s19  }
0x9d: {  	s8 =	simm.s32 $0x0;
	s20 =	sshll.u32 s6, $0x1;
	s6 =	sadd.s32 s21, s4  }
0x9e: {  	[timem:s8], [sflag:s22] =	dma.local [hbm:s6], s20  }
0x9f: {  	_ =	swait.ge [sflag:s22], s20  }
0xa0: {  	s5 =	ssub.s32 $0x0, s20;
	[sflag:s22] =	ssyncset.done $0x0  }
0xa1: {  	[sflag:s22] =	ssyncadd.s32 s5;
	_ =	sdelay $0x1  }
0xa2: {  	s23 =	simm.s32 $0x1B8B  }
0xa3: {  	_ =	swait.ge [sflag:s23], $0x1  }
0xa4: {  	[sflag:s23] =	ssyncset.done $0x0  }
0xa5: {  	s25 =	simm.s32 $0x1B8E;
	s24 =	sld [smem:$0x3FFE];
	[sflag:s23] =	ssyncadd.s32 $0xFFFFFFFF  }
0xa6: {  	s26 =	simm.s32 $execute0_lowered;
	[smem:$0x3FD2] =	sst s25  }
0xa7: {  	s6 =	sshll.u32 s26, $0x1;
	_ =	strace $0x80000049;
	[dreg:$0x1] =	wrdreg $0xFFFFFFFF  }
0xa8: {  	s28 =	simm.s32 $_size_execute0_lowered;
	s4 =	sadd.s32 s4, s6;
	[dreg:$0x0] =	wrdreg $0x0  }
0xa9: {  	s6 =	sshll.u32 s28, $0x1;
	[dreg:$0x2] =	wrdreg s4  }
0xaa: {  	[dreg:$0x3] =	wrdreg s6  }
0xab: {  	[dreg:$0x4] =	wrdreg $0xC0  }
0xac: {  	_ =	task [dreg:s8], $0x5FFFF  }
0xad: {  	[dreg:$0x1] =	wrdreg $0xFFFFFFFF  }
0xae: {  	[dreg:$0x0] =	wrdreg $0x60  }
0xaf: {  	[dreg:$0x2] =	wrdreg s24  }
0xb0: {  	[dreg:$0x3] =	wrdreg s18  }
0xb1: {  	[dreg:$0x4] =	wrdreg s2  }
0xb2: {  	[dreg:$0x5] =	wrdreg $0x9  }
0xb3: {  	_ =	task.clear_ibuf [dreg:s8], $0x6FFFF;
	_ =	strace $0x90000049  }
0xb4: {  	s29 =	simm.s32 $0x9;
	_ =	strace $0x8000004B  }
0xb5: {  	_ =	swait.ge [sflag:s29], $0x1  }
0xb6: {  	[sflag:s29] =	ssyncadd.s32 $0xFFFFFFFF  }
0xb7: {  	_ =	strace $0x9000004B  }
0xb8: {  	_ =	sfence  }
0xb9: {  	s30 =	sld [smem:$0x0];
	_ =	sdelay $0x2  }
0xba: {  	s31 =	sshll.u32 s1, $0xD;
	s1 =	sshrl.u32 s1, $0x2  }
0xbb: {  	s3 =	sand.u32 $0x4000, s31;
	s1 =	sadd.s32 s1, s30  }
0xbc: {  	s0 =	sor.u32 s3, s0;
	s1 =	sshll.u32 s1, $0x11  }
0xbd: {  	s0 =	sor.u32 s1, s0  }
0xbe: {  	s0 =	sadd.s32 $0x8F2B, s0  }
0xbf: {  	[sflag:s0] =	ssyncadd.remote.s32 $0x1  }
0xc0: {  	_ =	sfence.sel $0xFFFF  }
0xc1: {  	[dreg:$0x0] =	wrdreg $0xFFFFFFFF;
	(pc) =	sbr.abs _section_cstart, $3  }
0xc2: {  	[dreg:$0x1] =	wrdreg $0xFFFFFFFF  }
0xc3: {  	_ =	task.clear_ibuf [dreg:s8], $0x2FFFF;
	_ =	strace $0x9FFFFFFF  }
0xc4: {  	(tm) =	ssettm $0x7FFFFFFF  }
0xc5: {  	_ =	shalt  }
tec
execute0_lowered:
.L_overlay_start_1:
0x0: {  	(tag) =	ssettag $0x1  }
0x1: {  	s0 =	rddreg [dreg:$0x0]  }
0x2: {  	s1 =	rddreg [dreg:$0x1];
	s2 =	simm.s32 $0x0;
	s3 =	srdreg.scid;
	v0 =	vimm.s32 $0xFEDCBA98;
	v1 =	vimm.s32 $0x76543210;
	v2 =	vimm.s32 $0xBA98FEDC  }
0x3: {  	s6 =	stileid.u32;
	v3 =	vimm.s32 $0x32107654;
	v4 =	vimm.s32 $0xDCFE98BA;
	[smem:$0x7FF] =	sst s2;
	s4 =	sadd.s32 $0x800, s0  }
0x4: {  	v5 =	vimm.s32 $0x54761032;
	s3 =	sand.u32 $0x1, s3;
	s6 =	sshll.u32 s6, $0x9;
	s7 =	sadd.s32 $0x800800, s0  }
0x5: {  	v6 =	vimm.s32 $0xEFCDAB89;
	s9 =	sadd.s32 $0x900, s0;
	s10 =	sadd.s32 $0xA00, s0;
	s11 =	sadd.s32 $0xB00, s0  }
0x6: {  	v7 =	vimm.s32 $0x67452301;
	s12 =	sadd.s32 $0xC00, s0;
	s13 =	sadd.s32 $0xD00, s0;
	s14 =	sadd.s32 $0xE00, s0  }
0x7: {  	s15 =	sadd.s32 $0xF00, s0;
	s16 =	sadd.s32 $0x1000, s0;
	s17 =	sadd.s32 $0x1100, s0;
	v0 =	vunpack.c.l.s4.s8 v0;
	v1 =	vunpack.c.l.s4.s8 v1;
	v2 =	vunpack.c.l.s4.s8 v2  }
0x8: {  	s18 =	sadd.s32 $0x1200, s0;
	s19 =	sadd.s32 $0x1300, s0;
	s20 =	sadd.s32 $0x1400, s0;
	v3 =	vunpack.c.l.s4.s8 v3;
	v4 =	vunpack.c.l.s4.s8 v4;
	v5 =	vunpack.c.l.s4.s8 v5  }
0x9: {  	s21 =	sadd.s32 $0x1500, s0;
	v6 =	vunpack.c.l.s4.s8 v6;
	v7 =	vunpack.c.l.s4.s8 v7;
	s5 =	ssub.s32 $0x2, s3;
	s3 =	sshll.u32 s3, $0x8;
	v0 =	vunpack.c.0.s8.s32 v0  }
0xa: {  	s22 =	sadd.s32 $0x1600, s0;
	s23 =	sadd.s32 $0x1700, s0;
	s6 =	sor.u32 s3, s6;
	v1 =	vunpack.c.0.s8.s32 v1;
	v2 =	vunpack.c.0.s8.s32 v2;
	v3 =	vunpack.c.0.s8.s32 v3  }
0xb: {  	_ =	strace $0x8000004A;
	[dreg:$0x4] =	wrdreg s7;
	v4 =	vunpack.c.0.s8.s32 v4;
	v5 =	vunpack.c.0.s8.s32 v5;
	s28 =	sshrl.u32 s6, $0x3;
	v0 =	vand.u32 $0xF, v0  }
.Ltmp0:
0xc: {  	[dreg:$0x5] =	wrdreg s6;
	s1 =	sadd.s32 s1, s28;
	v0 =	vcombine.low v0, v1;
	v1 =	vunpack.c.0.s8.s32 v6;
	v6 =	vunpack.c.0.s8.s32 v7;
	(pc) =	sbr.rel .LBB2_1-.Ltmp0, $4  }
0xd: {  	s8 =	sshrl.u32 s5, $0x1;
	s29 =	sor.u32 $0x1, s28;
	v2 =	vcombine.low v3, v2;
	v3 =	vcombine.low v5, v4;
	[dreg:$0x6] =	wrdreg s1  }
0xe: {  	vm0 =	vmmov $0xffff;
	s26 =	ssub.s32 s5, s8;
	s30 =	sor.u32 $0x2, s28;
	v5 =	vlaneseq.u32;
	[dreg:$0x7] =	wrdreg s29;
	v4 =	vcombine.low v6, v1  }
0xf: {  	s7 =	sadd.s32 $0x800A00, s0;
	s31 =	smax.u32 s26, $0x1;
	[dreg:$0x8] =	wrdreg s30;
	v1 =	vand.u32 $0xF, v2;
	v2 =	vand.u32 $0xF, v3;
	v6 =	vshrl.u32 v5, $0x3  }
0x10: {  	s5 =	simm.s32 $0x0;
	[dreg:$0x9] =	wrdreg s31;
	s1 =	simm.s32 $0x2;
	v3 =	vand.u32 $0xF, v4;
	v4 =	vand.u32 $0x7, v5;
	v5 =	vmul.u32 $0x8, v6  }
.LBB2_14:
0x11: {  	s0 =	simm.s32 $0x6  }
0x12: {  	_ =	swait.ge [sflag:s0], $0x8000  }
0x13: {  	[sflag:s0] =	ssyncset.done $0x0  }
0x14: {  	s30 =	simm.s32 $0x4;
	[sflag:s0] =	ssyncadd.s32 $0xFFFF8000  }
0x15: {  	_ =	swait.ge [sflag:s30], $0x8000  }
0x16: {  	[sflag:s30] =	ssyncset.done $0x0  }
0x17: {  	s3 =	simm.s32 $0x5;
	[sflag:s30] =	ssyncadd.s32 $0xFFFF8000  }
0x18: {  	_ =	swait.ge [sflag:s3], $0x8000  }
0x19: {  	s5 =	rddreg [dreg:$0xa]  }
0x1a: {  	s31 =	rddreg [dreg:$0x9];
	s5 =	sadd.s32 $0x1, s5  }
0x1b: {  	p0 =	sne.s32 s5, s31  }
.Ltmp1:
0x1c: {  	_ = 	snop;
	(pc) =	sbr.rel @!p0 .LBB2_15-.Ltmp1, $3  }
0x1d: {  	_ =	sdelay $0x1  }
0x1e: {  	[sflag:s3] =	ssyncset.done $0x0  }
0x1f: {  	[sflag:s3] =	ssyncadd.s32 $0xFFFF8000  }
.LBB2_1:
0x20: {  	[dreg:$0xa] =	wrdreg s5  }
0x21: {  	s0 =	rddreg [dreg:$0x6];
	s3 =	simm.s32 $0x7  }
0x22: {  	[tilespmem:s2], [sflag:$0x7] =	stream.linear.gather [hbm4b:s0+s2], $0x100, $0x38;
	[tilespmem:$0x19200] =	vst v63  }
0x23: {  	_ =	swait.ge [sflag:s3], $0x100  }
0x24: {  	[sflag:s3] =	ssyncset.done $0x0  }
0x25: {  	[sflag:s3] =	ssyncadd.s32 $0xFFFFFF00  }
0x26: {  	s8 =	simm.s32 $0x100;
	s6 =	rddreg [dreg:$0x2]  }
0x27: {  	[tilespmem:s8], [sflag:$0x7] =	stream.linear.gather [hbm4b:s6+s2], $0x80, $0x38;
	[tilespmem:$0x19200] =	vst v63  }
0x28: {  	_ =	swait.ge [sflag:s3], $0x80  }
0x29: {  	[sflag:s3] =	ssyncset.done $0x0  }
0x2a: {  	s25 =	simm.s32 $0x180;
	s24 =	rddreg [dreg:$0x4];
	[sflag:s3] =	ssyncadd.s32 $0xFFFFFF80  }
0x2b: {  	[tilespmem:s25], [sflag:$0x7] =	stream.linear.gather [hbm4b:s24+s2], $0x1000, $0x38;
	[tilespmem:$0x19200] =	vst v63  }
0x2c: {  	_ =	swait.ge [sflag:s3], $0x1000  }
0x2d: {  	[sflag:s3] =	ssyncset.done $0x0  }
0x2e: {  	[sflag:s3] =	ssyncadd.s32 $0xFFFFF000  }
0x2f: {  	v6 =	vld [tilespmem:$0x180];
	_ =	sdelay $0x1  }
0x30: {  	v7 =	vld [tilespmem:$0x200];
	_ =	sdelay $0x1  }
0x31: {  	v8 =	vld [tilespmem:$0x280]  }
0x32: {  	v6 =	vadd.f32 $0.0e+00, v6  }
0x33: {  	v9 =	vld [tilespmem:$0x300]  }
0x34: {  	v6 =	vadd.f32 v7, v6  }
0x35: {  	v7 =	vld [tilespmem:$0x380]  }
0x36: {  	v6 =	vadd.f32 v8, v6  }
0x37: {  	v8 =	vld [tilespmem:$0x400]  }
0x38: {  	v6 =	vadd.f32 v9, v6  }
0x39: {  	v9 =	vld [tilespmem:$0x480]  }
0x3a: {  	v6 =	vadd.f32 v7, v6  }
0x3b: {  	v7 =	vld [tilespmem:$0x500]  }
0x3c: {  	v6 =	vadd.f32 v8, v6  }
0x3d: {  	v8 =	vld [tilespmem:$0x580]  }
0x3e: {  	v6 =	vadd.f32 v9, v6  }
0x3f: {  	v9 =	vld [tilespmem:$0x600]  }
0x40: {  	v6 =	vadd.f32 v7, v6  }
0x41: {  	v7 =	vld [tilespmem:$0x680]  }
0x42: {  	v6 =	vadd.f32 v8, v6  }
0x43: {  	v8 =	vld [tilespmem:$0x700]  }
0x44: {  	v6 =	vadd.f32 v9, v6  }
0x45: {  	v9 =	vld [tilespmem:$0x780]  }
0x46: {  	v6 =	vadd.f32 v7, v6  }
0x47: {  	v7 =	vld [tilespmem:$0x800]  }
0x48: {  	v6 =	vadd.f32 v8, v6  }
0x49: {  	v8 =	vld [tilespmem:$0x880]  }
0x4a: {  	v6 =	vadd.f32 v9, v6  }
0x4b: {  	v9 =	vld [tilespmem:$0x900]  }
0x4c: {  	v6 =	vadd.f32 v7, v6  }
0x4d: {  	v7 =	vld [tilespmem:$0x980]  }
0x4e: {  	v6 =	vadd.f32 v8, v6  }
0x4f: {  	v8 =	vld [tilespmem:$0xA00]  }
0x50: {  	v6 =	vadd.f32 v9, v6  }
0x51: {  	v9 =	vld [tilespmem:$0xA80]  }
0x52: {  	v10 =	vld [tilespmem:$0x100];
	v6 =	vadd.f32 v7, v6  }
0x53: {  	v7 =	vld [tilespmem:$0xB00]  }
0x54: {  	v6 =	vadd.f32 v8, v6  }
0x55: {  	v8 =	vld [tilespmem:$0xB80]  }
0x56: {  	v6 =	vadd.f32 v9, v6  }
0x57: {  	s26 =	simm.s32 $0x1180;
	[tilespmem:$0x1180] =	vst v10;
	v9 =	vld [tilespmem:$0xC00]  }
0x58: {  	v11 =	vld.idx.msk [tilespmem:v0+s26+$0x0], $0xffff;
	v6 =	vadd.f32 v7, v6  }
0x59: {  	v7 =	vld [tilespmem:$0xC80]  }
0x5a: {  	v6 =	vadd.f32 v8, v6  }
0x5b: {  	v8 =	vld [tilespmem:$0xD00]  }
0x5c: {  	v6 =	vadd.f32 v9, v6  }
0x5d: {  	v9 =	vadd.f32 v11, v10;
	v10 =	vld [tilespmem:$0xD80]  }
0x5e: {  	v6 =	vadd.f32 v7, v6  }
0x5f: {  	[tilespmem:$0x1180] =	vst v9;
	v7 =	vld [tilespmem:$0xE00]  }
0x60: {  	v11 =	vld.idx.msk [tilespmem:v1+s26+$0x0], $0xffff;
	v6 =	vadd.f32 v8, v6  }
0x61: {  	v8 =	vld [tilespmem:$0xE80]  }
0x62: {  	v6 =	vadd.f32 v10, v6  }
0x63: {  	v10 =	vld [tilespmem:$0xF00]  }
0x64: {  	v6 =	vadd.f32 v7, v6  }
0x65: {  	v7 =	vadd.f32 v11, v9;
	v9 =	vld [tilespmem:$0xF80]  }
0x66: {  	v6 =	vadd.f32 v8, v6  }
0x67: {  	v8 =	vld [tilespmem:$0x1000]  }
0x68: {  	v6 =	vadd.f32 v10, v6  }
0x69: {  	[tilespmem:$0x1180] =	vst v7;
	v10 =	vld [tilespmem:$0x1080]  }
0x6a: {  	v11 =	vld.idx.msk [tilespmem:v2+s26+$0x0], $0xffff;
	v6 =	vadd.f32 v9, v6  }
0x6b: {  	v9 =	vld [tilespmem:$0x1100]  }
0x6c: {  	v6 =	vadd.f32 v8, v6;
	_ =	sdelay $0x1  }
0x6d: {  	v6 =	vadd.f32 v10, v6  }
0x6e: {  	v7 =	vadd.f32 v11, v7  }
0x6f: {  	v6 =	vadd.f32 v9, v6  }
0x70: {  	[tilespmem:$0x1180] =	vst v7  }
0x71: {  	v8 =	vld.idx.msk [tilespmem:v3+s26+$0x0], $0xffff;
	[tilespmem:$0x1180] =	vst v6  }
0x72: {  	v9 =	vld.idx.msk [tilespmem:v0+s26+$0x0], $0xffff;
	_ =	sdelay $0x4  }
0x73: {  	v6 =	vadd.f32 v9, v6;
	_ =	sdelay $0x1  }
0x74: {  	[tilespmem:$0x1180] =	vst v6  }
0x75: {  	v9 =	vld.idx.msk [tilespmem:v1+s26+$0x0], $0xffff  }
0x76: {  	v10 =	vld.msk [tilespmem:$0x0], $0xff;
	_ =	sdelay $0x3  }
0x77: {  	v6 =	vadd.f32 v9, v6  }
0x78: {  	v9 =	vshll.u32 v10, $0x5  }
0x79: {  	v10 =	vand.u32 $0x7, v10;
	v9 =	vand.u32 $0xFFFFFF00, v9;
	[tilespmem:$0x1180] =	vst v6  }
0x7a: {  	v9 =	vor.u32 v10, v9;
	v11 =	vld.idx.msk [tilespmem:v2+s26+$0x0], $0xffff  }
0x7b: {  	v9 =	vperm.xlane v9, v4;
	_ =	sdelay $0x1  }
0x7c: {  	v9 =	vadd.s32 v5, v9;
	_ =	sdelay $0x1  }
0x7d: {  	v6 =	vadd.f32 v11, v6;
	_ =	sdelay $0x1  }
0x7e: {  	s28 =	simm.s32 $0x1200;
	[tilespmem:$0x1180] =	vst v6  }
0x7f: {  	v10 =	vld.idx.msk [tilespmem:v3+s26+$0x0], $0xffff;
	[tilespmem:s28], [sflag:$0x1] =	stream.indirect_vreg.gather [hbm4b:s4+s2], $0x80, v9, vm0, $0xb8  }
0x80: {  	s29 =	simm.s32 $0x1A00  }
0x81: {  	[tilespmem:s29], [sflag:$0x1] =	stream.indirect_vreg.gather [hbm4b:s9+s2], $0x80, v9, vm0, $0xb8;
	[tilespmem:$0x19200] =	vst v63  }
0x82: {  	s30 =	simm.s32 $0x2200  }
0x83: {  	[tilespmem:s30], [sflag:$0x1] =	stream.indirect_vreg.gather [hbm4b:s10+s2], $0x80, v9, vm0, $0xb8;
	[tilespmem:$0x19200] =	vst v63  }
0x84: {  	s31 =	simm.s32 $0x2A00  }
0x85: {  	[tilespmem:s31], [sflag:$0x1] =	stream.indirect_vreg.gather [hbm4b:s11+s2], $0x80, v9, vm0, $0xb8;
	[tilespmem:$0x19200] =	vst v63  }
0x86: {  	s3 =	simm.s32 $0x3200  }
0x87: {  	[tilespmem:s3], [sflag:$0x1] =	stream.indirect_vreg.gather [hbm4b:s12+s2], $0x80, v9, vm0, $0xb8;
	[tilespmem:$0x19200] =	vst v63  }
0x88: {  	s5 =	simm.s32 $0x3A00  }
0x89: {  	[tilespmem:s5], [sflag:$0x1] =	stream.indirect_vreg.gather [hbm4b:s13+s2], $0x80, v9, vm0, $0xb8;
	[tilespmem:$0x19200] =	vst v63  }
0x8a: {  	s6 =	simm.s32 $0x4200  }
0x8b: {  	[tilespmem:s6], [sflag:$0x1] =	stream.indirect_vreg.gather [hbm4b:s14+s2], $0x80, v9, vm0, $0xb8;
	[tilespmem:$0x19200] =	vst v63  }
0x8c: {  	s8 =	simm.s32 $0x4A00  }
0x8d: {  	[tilespmem:s8], [sflag:$0x1] =	stream.indirect_vreg.gather [hbm4b:s15+s2], $0x80, v9, vm0, $0xb8;
	[tilespmem:$0x19200] =	vst v63  }
0x8e: {  	s24 =	simm.s32 $0x5200  }
0x8f: {  	[tilespmem:s24], [sflag:$0x1] =	stream.indirect_vreg.gather [hbm4b:s16+s2], $0x80, v9, vm0, $0xb8;
	[tilespmem:$0x19200] =	vst v63  }
0x90: {  	s25 =	simm.s32 $0x5A00  }
0x91: {  	[tilespmem:s25], [sflag:$0x1] =	stream.indirect_vreg.gather [hbm4b:s17+s2], $0x80, v9, vm0, $0xb8;
	[tilespmem:$0x19200] =	vst v63  }
0x92: {  	s26 =	simm.s32 $0x6200  }
0x93: {  	[tilespmem:s26], [sflag:$0x1] =	stream.indirect_vreg.gather [hbm4b:s18+s2], $0x80, v9, vm0, $0xb8;
	[tilespmem:$0x19200] =	vst v63  }
0x94: {  	s28 =	simm.s32 $0x6A00  }
0x95: {  	[tilespmem:s28], [sflag:$0x1] =	stream.indirect_vreg.gather [hbm4b:s19+s2], $0x80, v9, vm0, $0xb8;
	[tilespmem:$0x19200] =	vst v63  }
0x96: {  	s29 =	simm.s32 $0x7200  }
0x97: {  	[tilespmem:s29], [sflag:$0x1] =	stream.indirect_vreg.gather [hbm4b:s20+s2], $0x80, v9, vm0, $0xb8;
	[tilespmem:$0x19200] =	vst v63  }
0x98: {  	s30 =	simm.s32 $0x7A00  }
0x99: {  	[tilespmem:s30], [sflag:$0x1] =	stream.indirect_vreg.gather [hbm4b:s21+s2], $0x80, v9, vm0, $0xb8;
	[tilespmem:$0x19200] =	vst v63  }
0x9a: {  	s31 =	simm.s32 $0x8200  }
0x9b: {  	[tilespmem:s31], [sflag:$0x1] =	stream.indirect_vreg.gather [hbm4b:s22+s2], $0x80, v9, vm0, $0xb8;
	[tilespmem:$0x19200] =	vst v63  }
0x9c: {  	s3 =	simm.s32 $0x8A00  }
0x9d: {  	[tilespmem:s3], [sflag:$0x1] =	stream.indirect_vreg.gather [hbm4b:s23+s2], $0x80, v9, vm0, $0xb8;
	[tilespmem:$0x19200] =	vst v63  }
0x9e: {  	v9 =	vld.msk [tilespmem:$0x8], $0xff;
	_ =	sdelay $0x4  }
0x9f: {  	v11 =	vshll.u32 v9, $0x5  }
0xa0: {  	v9 =	vand.u32 $0x7, v9;
	v11 =	vand.u32 $0xFFFFFF00, v11  }
0xa1: {  	v9 =	vor.u32 v9, v11  }
0xa2: {  	v9 =	vperm.xlane v9, v4;
	_ =	sdelay $0x1  }
0xa3: {  	v9 =	vadd.s32 v5, v9;
	_ =	sdelay $0x3  }
0xa4: {  	s5 =	simm.s32 $0x9200  }
0xa5: {  	[tilespmem:s5], [sflag:$0x2] =	stream.indirect_vreg.gather [hbm4b:s4+s2], $0x80, v9, vm0, $0xb8;
	[tilespmem:$0x19200] =	vst v63  }
0xa6: {  	s6 =	simm.s32 $0x9A00  }
0xa7: {  	[tilespmem:s6], [sflag:$0x2] =	stream.indirect_vreg.gather [hbm4b:s9+s2], $0x80, v9, vm0, $0xb8;
	[tilespmem:$0x19200] =	vst v63  }
0xa8: {  	s8 =	simm.s32 $0xA200  }
0xa9: {  	[tilespmem:s8], [sflag:$0x2] =	stream.indirect_vreg.gather [hbm4b:s10+s2], $0x80, v9, vm0, $0xb8;
	[tilespmem:$0x19200] =	vst v63  }
0xaa: {  	s24 =	simm.s32 $0xAA00  }
0xab: {  	[tilespmem:s24], [sflag:$0x2] =	stream.indirect_vreg.gather [hbm4b:s11+s2], $0x80, v9, vm0, $0xb8;
	[tilespmem:$0x19200] =	vst v63  }
0xac: {  	s25 =	simm.s32 $0xB200  }
0xad: {  	[tilespmem:s25], [sflag:$0x2] =	stream.indirect_vreg.gather [hbm4b:s12+s2], $0x80, v9, vm0, $0xb8;
	[tilespmem:$0x19200] =	vst v63  }
0xae: {  	s26 =	simm.s32 $0xBA00  }
0xaf: {  	[tilespmem:s26], [sflag:$0x2] =	stream.indirect_vreg.gather [hbm4b:s13+s2], $0x80, v9, vm0, $0xb8;
	[tilespmem:$0x19200] =	vst v63  }
0xb0: {  	s28 =	simm.s32 $0xC200  }
0xb1: {  	[tilespmem:s28], [sflag:$0x2] =	stream.indirect_vreg.gather [hbm4b:s14+s2], $0x80, v9, vm0, $0xb8;
	[tilespmem:$0x19200] =	vst v63  }
0xb2: {  	s29 =	simm.s32 $0xCA00  }
0xb3: {  	[tilespmem:s29], [sflag:$0x2] =	stream.indirect_vreg.gather [hbm4b:s15+s2], $0x80, v9, vm0, $0xb8;
	[tilespmem:$0x19200] =	vst v63  }
0xb4: {  	s30 =	simm.s32 $0xD200  }
0xb5: {  	[tilespmem:s30], [sflag:$0x2] =	stream.indirect_vreg.gather [hbm4b:s16+s2], $0x80, v9, vm0, $0xb8;
	[tilespmem:$0x19200] =	vst v63  }
0xb6: {  	s31 =	simm.s32 $0xDA00  }
0xb7: {  	[tilespmem:s31], [sflag:$0x2] =	stream.indirect_vreg.gather [hbm4b:s17+s2], $0x80, v9, vm0, $0xb8;
	[tilespmem:$0x19200] =	vst v63  }
0xb8: {  	s3 =	simm.s32 $0xE200  }
0xb9: {  	[tilespmem:s3], [sflag:$0x2] =	stream.indirect_vreg.gather [hbm4b:s18+s2], $0x80, v9, vm0, $0xb8;
	[tilespmem:$0x19200] =	vst v63  }
0xba: {  	s5 =	simm.s32 $0xEA00  }
0xbb: {  	[tilespmem:s5], [sflag:$0x2] =	stream.indirect_vreg.gather [hbm4b:s19+s2], $0x80, v9, vm0, $0xb8;
	[tilespmem:$0x19200] =	vst v63  }
0xbc: {  	s6 =	simm.s32 $0xF200  }
0xbd: {  	[tilespmem:s6], [sflag:$0x2] =	stream.indirect_vreg.gather [hbm4b:s20+s2], $0x80, v9, vm0, $0xb8;
	[tilespmem:$0x19200] =	vst v63  }
0xbe: {  	s8 =	simm.s32 $0xFA00  }
0xbf: {  	[tilespmem:s8], [sflag:$0x2] =	stream.indirect_vreg.gather [hbm4b:s21+s2], $0x80, v9, vm0, $0xb8;
	[tilespmem:$0x19200] =	vst v63  }
0xc0: {  	s24 =	simm.s32 $0x10200  }
0xc1: {  	[tilespmem:s24], [sflag:$0x2] =	stream.indirect_vreg.gather [hbm4b:s22+s2], $0x80, v9, vm0, $0xb8;
	[tilespmem:$0x19200] =	vst v63  }
0xc2: {  	s25 =	simm.s32 $0x10A00  }
0xc3: {  	[tilespmem:s25], [sflag:$0x2] =	stream.indirect_vreg.gather [hbm4b:s23+s2], $0x80, v9, vm0, $0xb8;
	[tilespmem:$0x19200] =	vst v63  }
0xc4: {  	v9 =	vld.msk [tilespmem:$0x10], $0xff;
	_ =	sdelay $0x4  }
0xc5: {  	v11 =	vshll.u32 v9, $0x5  }
0xc6: {  	v9 =	vand.u32 $0x7, v9;
	v11 =	vand.u32 $0xFFFFFF00, v11  }
0xc7: {  	v9 =	vor.u32 v9, v11  }
0xc8: {  	v9 =	vperm.xlane v9, v4;
	_ =	sdelay $0x1  }
0xc9: {  	v9 =	vadd.s32 v5, v9;
	_ =	sdelay $0x3  }
0xca: {  	s26 =	simm.s32 $0x11200  }
0xcb: {  	[tilespmem:s26], [sflag:$0x3] =	stream.indirect_vreg.gather [hbm4b:s4+s2], $0x80, v9, vm0, $0xb8;
	[tilespmem:$0x19200] =	vst v63  }
0xcc: {  	s28 =	simm.s32 $0x11A00  }
0xcd: {  	[tilespmem:s28], [sflag:$0x3] =	stream.indirect_vreg.gather [hbm4b:s9+s2], $0x80, v9, vm0, $0xb8;
	[tilespmem:$0x19200] =	vst v63  }
0xce: {  	s29 =	simm.s32 $0x12200  }
0xcf: {  	[tilespmem:s29], [sflag:$0x3] =	stream.indirect_vreg.gather [hbm4b:s10+s2], $0x80, v9, vm0, $0xb8;
	[tilespmem:$0x19200] =	vst v63  }
0xd0: {  	s30 =	simm.s32 $0x12A00  }
0xd1: {  	[tilespmem:s30], [sflag:$0x3] =	stream.indirect_vreg.gather [hbm4b:s11+s2], $0x80, v9, vm0, $0xb8;
	[tilespmem:$0x19200] =	vst v63  }
0xd2: {  	s31 =	simm.s32 $0x13200  }
0xd3: {  	[tilespmem:s31], [sflag:$0x3] =	stream.indirect_vreg.gather [hbm4b:s12+s2], $0x80, v9, vm0, $0xb8;
	[tilespmem:$0x19200] =	vst v63  }
0xd4: {  	s3 =	simm.s32 $0x13A00  }
0xd5: {  	[tilespmem:s3], [sflag:$0x3] =	stream.indirect_vreg.gather [hbm4b:s13+s2], $0x80, v9, vm0, $0xb8;
	[tilespmem:$0x19200] =	vst v63  }
0xd6: {  	s5 =	simm.s32 $0x14200  }
0xd7: {  	[tilespmem:s5], [sflag:$0x3] =	stream.indirect_vreg.gather [hbm4b:s14+s2], $0x80, v9, vm0, $0xb8;
	[tilespmem:$0x19200] =	vst v63  }
0xd8: {  	s6 =	simm.s32 $0x14A00  }
0xd9: {  	[tilespmem:s6], [sflag:$0x3] =	stream.indirect_vreg.gather [hbm4b:s15+s2], $0x80, v9, vm0, $0xb8;
	[tilespmem:$0x19200] =	vst v63  }
0xda: {  	s8 =	simm.s32 $0x15200  }
0xdb: {  	[tilespmem:s8], [sflag:$0x3] =	stream.indirect_vreg.gather [hbm4b:s16+s2], $0x80, v9, vm0, $0xb8;
	[tilespmem:$0x19200] =	vst v63  }
0xdc: {  	v6 =	vadd.f32 v10, v6;
	s24 =	simm.s32 $0x15A00  }
0xdd: {  	[tilespmem:s24], [sflag:$0x3] =	stream.indirect_vreg.gather [hbm4b:s17+s2], $0x80, v9, vm0, $0xb8;
	[tilespmem:$0x19200] =	vst v63  }
0xde: {  	(erf) = vrcp.f32 v6;
	s25 =	simm.s32 $0x16200  }
0xdf: {  	[tilespmem:s25], [sflag:$0x3] =	stream.indirect_vreg.gather [hbm4b:s18+s2], $0x80, v9, vm0, $0xb8;
	[tilespmem:$0x19200] =	vst v63  }
0xe0: {  	s26 =	simm.s32 $0x16A00  }
0xe1: {  	[tilespmem:s26], [sflag:$0x3] =	stream.indirect_vreg.gather [hbm4b:s19+s2], $0x80, v9, vm0, $0xb8;
	[tilespmem:$0x19200] =	vst v63  }
0xe2: {  	s28 =	simm.s32 $0x17200  }
0xe3: {  	v6 =	vadd.f32 v8, v7;
	[tilespmem:s28], [sflag:$0x3] =	stream.indirect_vreg.gather [hbm4b:s20+s2], $0x80, v9, vm0, $0xb8;
	[tilespmem:$0x19200] =	vst v63  }
0xe4: {  	s29 =	simm.s32 $0x17A00  }
0xe5: {  	[tilespmem:s29], [sflag:$0x3] =	stream.indirect_vreg.gather [hbm4b:s21+s2], $0x80, v9, vm0, $0xb8;
	[tilespmem:$0x19200] =	vst v63  }
.Ltmp2:
0xe6: {  	v7 =	vsub.f32 $1.000000000e+00, v6;
	s30 =	simm.s32 $0x18200;
	(pc) =	sbr.rel .LBB2_2-.Ltmp2, $4  }
0xe7: {  	v8 =	vmul.f32 $1.220703130e-04, v6;
	v6 =	vpop (erf);
	[tilespmem:s30], [sflag:$0x3] =	stream.indirect_vreg.gather [hbm4b:s22+s2], $0x80, v9, vm0, $0xb8;
	[tilespmem:$0x19200] =	vst v63  }
0xe8: {  	v7 =	vmul.f32 v6, v7;
	s31 =	simm.s32 $0x18A00  }
0xe9: {  	v8 =	vmul.f32 v6, v8;
	[tilespmem:s31], [sflag:$0x3] =	stream.indirect_vreg.gather [hbm4b:s23+s2], $0x80, v9, vm0, $0xb8;
	v9 =	vmul.f32 $9.999999970e-07, v6;
	[tilespmem:$0x19200] =	vst v63  }
0xea: {  	s5 =	simm.s32 $0x0  }
.LBB2_13:
0xeb: {  	s5 =	sadd.s32 $0x1, s5  }
0xec: {  	p0 =	sne.s32 s5, $0xB  }
.Ltmp3:
0xed: {  	_ = 	snop;
	(pc) =	sbr.rel @!p0 .LBB2_14-.Ltmp3, $1  }
0xee: {  	_ =	sdelay $0x3  }
.LBB2_2:
0xef: {  	s3 =	simm.s32 $0x1  }
0xf0: {  	s0 =	simm.s32 $0x0;
	_ =	swait.ge [sflag:s3], $0x8000  }
0xf1: {  	s6 =	sand.u32 $0x7C00, s0;
	s0 =	sand.u32 $0x380, s0;
	[sflag:s3] =	ssyncset.done $0x0  }
0xf2: {  	s0 =	sor.u32 s0, s6;
	[sflag:s3] =	ssyncadd.s32 $0xFFFF8000  }
0xf3: {  	v10 =	vld [tilespmem:s0+$0x1270]  }
0xf4: {  	v11 =	vld [tilespmem:s0+$0x1200]  }
0xf5: {  	v12 =	vld [tilespmem:s0+$0x1210]  }
0xf6: {  	v13 =	vld [tilespmem:s0+$0x1220]  }
0xf7: {  	v14 =	vld [tilespmem:s0+$0x1230]  }
0xf8: {  	s31 =	simm.s32 $0x4;
	s8 =	simm.s32 $0x400;
	v15 =	vld [tilespmem:s0+$0x1240]  }
0xf9: {  	s8 =	sand.u32 $0x7C00, s8;
	s6 =	sand.u32 $0x380, s31;
	v16 =	vld [tilespmem:s0+$0x1250]  }
0xfa: {  	s8 =	sor.u32 s6, s8;
	v17 =	vld [tilespmem:s0+$0x1260]  }
0xfb: {  	v18 =	vld [tilespmem:s8+$0x1270]  }
0xfc: {  	v19 =	vld [tilespmem:s8+$0x1200]  }
0xfd: {  	v20 =	vld [tilespmem:s8+$0x1210];
	v10 =	vmul.f32 v10, v7;
	v11 =	vmul.f32 v11, v7  }
0xfe: {  	v12 =	vmul.f32 v12, v7;
	v13 =	vmul.f32 v13, v7  }
0xff: {  	v14 =	vmul.f32 v14, v7;
	v15 =	vmul.f32 v15, v7  }
0x100: {  	v16 =	vmul.f32 v16, v7;
	v17 =	vmul.f32 v17, v7  }
0x101: {  	v23 =	vmul.f32 v18, v7;
	v19 =	vmul.f32 v19, v7;
	v10 =	vadd.f32 v10, v8  }
0x102: {  	v18 =	vmul.f32 v20, v7;
	v11 =	vadd.f32 v11, v8;
	v12 =	vadd.f32 v12, v8  }
0x103: {  	v13 =	vadd.f32 v13, v8;
	v14 =	vadd.f32 v14, v8;
	v10 =	vmax.f32 v10, v9  }
0x104: {  	v15 =	vadd.f32 v15, v8;
	v11 =	vmax.f32 v11, v9;
	v10 =	vmin.f32 v10, v6  }
0x105: {  	v21 =	vld [tilespmem:s8+$0x1220];
	v12 =	vmax.f32 v12, v9;
	v13 =	vmax.f32 v13, v9;
	v11 =	vmin.f32 v11, v6;
	[tilespmem:s0+$0x1270] =	vst v10  }
0x106: {  	v14 =	vmax.f32 v14, v9;
	v12 =	vmin.f32 v12, v6;
	v10 =	vadd.f32 v16, v8;
	[tilespmem:s0+$0x1200] =	vst v11;
	v11 =	vld [tilespmem:s8+$0x1230]  }
0x107: {  	v15 =	vmax.f32 v15, v9;
	v16 =	vadd.f32 v17, v8;
	v17 =	vmin.f32 v13, v6;
	[tilespmem:s0+$0x1210] =	vst v12;
	v13 =	vld [tilespmem:s8+$0x1240]  }
0x108: {  	v24 =	vmin.f32 v15, v6;
	v12 =	vmin.f32 v14, v6;
	[tilespmem:s0+$0x1220] =	vst v17;
	v22 =	vmax.f32 v10, v9;
	v10 =	vld [tilespmem:s8+$0x1250]  }
0x109: {  	v17 =	vadd.f32 v23, v8;
	[tilespmem:s0+$0x1230] =	vst v12;
	v12 =	vld [tilespmem:s8+$0x1260];
	v14 =	vmax.f32 v16, v9;
	v15 =	vmin.f32 v22, v6  }
0x10a: {  	s25 =	simm.s32 $0x8;
	s24 =	simm.s32 $0x800;
	s6 =	simm.s32 $0x8;
	[tilespmem:s0+$0x1240] =	vst v24;
	v16 =	vmin.f32 v14, v6;
	v14 =	vadd.f32 v19, v8;
	v19 =	vmul.f32 v21, v7  }
.LBB2_3:
0x10b: {  	s26 =	sand.u32 $0x7C00, s24;
	s28 =	sand.u32 $0x380, s6;
	s25 =	sadd.s32 $0x8, s25;
	v18 =	vadd.f32 v18, v8;
	v11 =	vmul.f32 v11, v7;
	v17 =	vmax.f32 v17, v9;
	[tilespmem:s0+$0x1250] =	vst v15  }
0x10c: {  	p0 =	slt.u32 s25, $0x7F8;
	v15 =	vadd.f32 v19, v8;
	v13 =	vmul.f32 v13, v7;
	v17 =	vmin.f32 v17, v6;
	[tilespmem:s0+$0x1260] =	vst v16;
	s0 =	smov.u32 s8;
	s8 =	sor.u32 s28, s26  }
0x10d: {  	v14 =	vmax.f32 v14, v9;
	v16 =	vld [tilespmem:s8+$0x1270];
	v11 =	vadd.f32 v11, v8;
	v10 =	vmul.f32 v10, v7;
	[tilespmem:s0+$0x1270] =	vst v17  }
0x10e: {  	v18 =	vmax.f32 v18, v9;
	v17 =	vld [tilespmem:s8+$0x1200];
	v13 =	vadd.f32 v13, v8;
	v12 =	vmul.f32 v12, v7  }
0x10f: {  	v15 =	vmax.f32 v15, v9;
	v19 =	vld [tilespmem:s8+$0x1210];
	v20 =	vmax.f32 v11, v9;
	v10 =	vadd.f32 v10, v8  }
0x110: {  	v14 =	vmin.f32 v14, v6;
	v21 =	vld [tilespmem:s8+$0x1220];
	v22 =	vmax.f32 v13, v9;
	v12 =	vadd.f32 v12, v8  }
.Ltmp4:
0x111: {  	v15 =	vmin.f32 v15, v6;
	v11 =	vld [tilespmem:s8+$0x1230];
	[tilespmem:s0+$0x1200] =	vst v14;
	v14 =	vmin.f32 v18, v6;
	v18 =	vmax.f32 v10, v9;
	(pc) =	sbr.rel @p0 .LBB2_3-.Ltmp4, $4  }
0x112: {  	v13 =	vld [tilespmem:s8+$0x1240];
	v16 =	vmul.f32 v16, v7;
	[tilespmem:s0+$0x1210] =	vst v14;
	v14 =	vmin.f32 v20, v6;
	v20 =	vmax.f32 v12, v9  }
0x113: {  	v22 =	vmin.f32 v22, v6;
	v23 =	vmul.f32 v17, v7;
	v10 =	vld [tilespmem:s8+$0x1250];
	[tilespmem:s0+$0x1220] =	vst v15;
	v15 =	vmin.f32 v18, v6  }
0x114: {  	v18 =	vmul.f32 v19, v7;
	v12 =	vld [tilespmem:s8+$0x1260];
	v17 =	vadd.f32 v16, v8;
	[tilespmem:s0+$0x1230] =	vst v14;
	v16 =	vmin.f32 v20, v6  }
0x115: {  	s6 =	sadd.s32 $0x4, s6;
	s24 =	sadd.s32 $0x400, s24;
	v14 =	vadd.f32 v23, v8;
	v19 =	vmul.f32 v21, v7;
	[tilespmem:s0+$0x1240] =	vst v22  }
0x116: {  	v18 =	vadd.f32 v18, v8  }
0x117: {  	v11 =	vmul.f32 v11, v7;
	v17 =	vmax.f32 v17, v9;
	[tilespmem:s0+$0x1250] =	vst v15;
	v61 =	vadd.f32 v19, v8  }
0x118: {  	[tilespmem:s0+$0x1260] =	vst v16;
	v13 =	vmul.f32 v13, v7;
	v17 =	vmin.f32 v17, v6;
	v14 =	vmax.f32 v14, v9  }
0x119: {  	v11 =	vadd.f32 v11, v8;
	[tilespmem:s8+$0x1270] =	vst v17;
	v62 =	vmax.f32 v18, v9;
	v14 =	vmin.f32 v14, v6  }
0x11a: {  	v13 =	vadd.f32 v13, v8;
	v15 =	vmax.f32 v61, v9;
	[tilespmem:s8+$0x1200] =	vst v14;
	v63 =	vmin.f32 v62, v6  }
0x11b: {  	v10 =	vmul.f32 v10, v7;
	v11 =	vmax.f32 v11, v9;
	v15 =	vmin.f32 v15, v6;
	[tilespmem:s8+$0x1210] =	vst v63  }
0x11c: {  	v12 =	vmul.f32 v12, v7;
	v13 =	vmax.f32 v13, v9;
	v11 =	vmin.f32 v11, v6;
	[tilespmem:s8+$0x1220] =	vst v15  }
0x11d: {  	v10 =	vadd.f32 v10, v8;
	v13 =	vmin.f32 v13, v6;
	[tilespmem:s8+$0x1230] =	vst v11  }
0x11e: {  	s30 =	smul.u32 $0x18, s5;
	v12 =	vadd.f32 v12, v8;
	[tilespmem:s8+$0x1240] =	vst v13  }
0x11f: {  	v10 =	vmax.f32 v10, v9;
	s3 =	rddreg [dreg:$0x5]  }
0x120: {  	p0 =	seq.s32 s5, $0x0;
	v11 =	vmax.f32 v12, v9;
	v10 =	vmin.f32 v10, v6;
	s0 =	sadd.s32 s3, s30  }
0x121: {  	p1 =	seq.s32 @!p0 s5, $0xA;
	v11 =	vmin.f32 v11, v6;
	[tilespmem:s8+$0x1250] =	vst v10;
	s0 =	sshll.u32 s0, $0x9  }
0x122: {  	s31 =	simm.s32 $0x1200;
	p1 =	por p0, !p1;
	[tilespmem:s8+$0x1260] =	vst v11;
	s0 =	sadd.s32 s7, s0  }
0x123: {  	[hbm4b:s0+s2] =	stream.linear.scatter [tilespmem:s31], [sflag:$0x4], $0x8000, $0x38;
	[tilespmem:$0x19200] =	vst v63  }
.Ltmp5:
0x124: {  	_ = 	snop;
	(pc) =	sbr.rel @!p1 .LBB2_6-.Ltmp5, $4  }
0x125: {  	s0 =	simm.s32 @!p0 $0x4  }
0x126: {  	_ =	swait.ge @!p0 [sflag:s0], $0x8000  }
0x127: {  	[sflag:s0] =	ssyncset.done @!p0 $0x0  }
0x128: {  	[sflag:s0] =	ssyncadd.s32 @!p0 $0xFFFF8000  }
0x129: {  	s0 =	smul.u32 $0x60, s5;
	_ =	sdelay $0x1  }
0x12a: {  	s0 =	sshra.s32 s0, $0x2  }
0x12b: {  	v10 =	vld.msk [tilespmem:s0+$0x18], $0xff;
	_ =	sdelay $0x4  }
0x12c: {  	v11 =	vshll.u32 v10, $0x5  }
0x12d: {  	v10 =	vand.u32 $0x7, v10;
	v11 =	vand.u32 $0xFFFFFF00, v11  }
0x12e: {  	v10 =	vor.u32 v10, v11  }
0x12f: {  	v10 =	vperm.xlane v10, v4;
	_ =	sdelay $0x1  }
0x130: {  	v10 =	vadd.s32 v5, v10;
	_ =	sdelay $0x3  }
0x131: {  	s25 =	simm.s32 $0x1200  }
0x132: {  	[tilespmem:s25], [sflag:$0x1] =	stream.indirect_vreg.gather [hbm4b:s4+s2], $0x80, v10, vm0, $0xb8;
	[tilespmem:$0x19200] =	vst v63  }
0x133: {  	s26 =	simm.s32 $0x1A00  }
0x134: {  	[tilespmem:s26], [sflag:$0x1] =	stream.indirect_vreg.gather [hbm4b:s9+s2], $0x80, v10, vm0, $0xb8;
	[tilespmem:$0x19200] =	vst v63  }
0x135: {  	s28 =	simm.s32 $0x2200  }
0x136: {  	[tilespmem:s28], [sflag:$0x1] =	stream.indirect_vreg.gather [hbm4b:s10+s2], $0x80, v10, vm0, $0xb8;
	[tilespmem:$0x19200] =	vst v63  }
0x137: {  	s29 =	simm.s32 $0x2A00  }
0x138: {  	[tilespmem:s29], [sflag:$0x1] =	stream.indirect_vreg.gather [hbm4b:s11+s2], $0x80, v10, vm0, $0xb8;
	[tilespmem:$0x19200] =	vst v63  }
0x139: {  	s30 =	simm.s32 $0x3200  }
0x13a: {  	[tilespmem:s30], [sflag:$0x1] =	stream.indirect_vreg.gather [hbm4b:s12+s2], $0x80, v10, vm0, $0xb8;
	[tilespmem:$0x19200] =	vst v63  }
0x13b: {  	s31 =	simm.s32 $0x3A00  }
0x13c: {  	[tilespmem:s31], [sflag:$0x1] =	stream.indirect_vreg.gather [hbm4b:s13+s2], $0x80, v10, vm0, $0xb8;
	[tilespmem:$0x19200] =	vst v63  }
0x13d: {  	s3 =	simm.s32 $0x4200  }
0x13e: {  	[tilespmem:s3], [sflag:$0x1] =	stream.indirect_vreg.gather [hbm4b:s14+s2], $0x80, v10, vm0, $0xb8;
	[tilespmem:$0x19200] =	vst v63  }
0x13f: {  	s6 =	simm.s32 $0x4A00  }
0x140: {  	[tilespmem:s6], [sflag:$0x1] =	stream.indirect_vreg.gather [hbm4b:s15+s2], $0x80, v10, vm0, $0xb8;
	[tilespmem:$0x19200] =	vst v63  }
0x141: {  	s8 =	simm.s32 $0x5200  }
0x142: {  	[tilespmem:s8], [sflag:$0x1] =	stream.indirect_vreg.gather [hbm4b:s16+s2], $0x80, v10, vm0, $0xb8;
	[tilespmem:$0x19200] =	vst v63  }
0x143: {  	s24 =	simm.s32 $0x5A00  }
0x144: {  	[tilespmem:s24], [sflag:$0x1] =	stream.indirect_vreg.gather [hbm4b:s17+s2], $0x80, v10, vm0, $0xb8;
	[tilespmem:$0x19200] =	vst v63  }
0x145: {  	s25 =	simm.s32 $0x6200  }
0x146: {  	[tilespmem:s25], [sflag:$0x1] =	stream.indirect_vreg.gather [hbm4b:s18+s2], $0x80, v10, vm0, $0xb8;
	[tilespmem:$0x19200] =	vst v63  }
0x147: {  	s26 =	simm.s32 $0x6A00  }
0x148: {  	[tilespmem:s26], [sflag:$0x1] =	stream.indirect_vreg.gather [hbm4b:s19+s2], $0x80, v10, vm0, $0xb8;
	[tilespmem:$0x19200] =	vst v63  }
0x149: {  	s28 =	simm.s32 $0x7200  }
0x14a: {  	[tilespmem:s28], [sflag:$0x1] =	stream.indirect_vreg.gather [hbm4b:s20+s2], $0x80, v10, vm0, $0xb8;
	[tilespmem:$0x19200] =	vst v63  }
0x14b: {  	s29 =	simm.s32 $0x7A00  }
0x14c: {  	[tilespmem:s29], [sflag:$0x1] =	stream.indirect_vreg.gather [hbm4b:s21+s2], $0x80, v10, vm0, $0xb8;
	[tilespmem:$0x19200] =	vst v63  }
0x14d: {  	s30 =	simm.s32 $0x8200  }
0x14e: {  	[tilespmem:s30], [sflag:$0x1] =	stream.indirect_vreg.gather [hbm4b:s22+s2], $0x80, v10, vm0, $0xb8;
	[tilespmem:$0x19200] =	vst v63  }
0x14f: {  	s31 =	simm.s32 $0x8A00  }
0x150: {  	[tilespmem:s31], [sflag:$0x1] =	stream.indirect_vreg.gather [hbm4b:s23+s2], $0x80, v10, vm0, $0xb8;
	[tilespmem:$0x19200] =	vst v63  }
.LBB2_6:
0x151: {  	_ =	swait.ge [sflag:s1], $0x8000;
	s0 =	simm.s32 $0x0  }
0x152: {  	[sflag:s1] =	ssyncset.done $0x0;
	s6 =	sand.u32 $0x7C00, s0;
	s0 =	sand.u32 $0x380, s0  }
0x153: {  	[sflag:s1] =	ssyncadd.s32 $0xFFFF8000;
	s0 =	sor.u32 s0, s6  }
0x154: {  	v10 =	vld [tilespmem:s0+$0x9270]  }
0x155: {  	v11 =	vld [tilespmem:s0+$0x9200]  }
0x156: {  	v12 =	vld [tilespmem:s0+$0x9210]  }
0x157: {  	v13 =	vld [tilespmem:s0+$0x9220]  }
0x158: {  	v14 =	vld [tilespmem:s0+$0x9230]  }
0x159: {  	s31 =	simm.s32 $0x4;
	s8 =	simm.s32 $0x400;
	v15 =	vld [tilespmem:s0+$0x9240]  }
0x15a: {  	s8 =	sand.u32 $0x7C00, s8;
	s6 =	sand.u32 $0x380, s31;
	v16 =	vld [tilespmem:s0+$0x9250]  }
0x15b: {  	v17 =	vld [tilespmem:s0+$0x9260];
	s28 =	sor.u32 s6, s8  }
0x15c: {  	v19 =	vld [tilespmem:s28+$0x9200];
	v10 =	vmul.f32 v10, v7  }
0x15d: {  	v11 =	vmul.f32 v11, v7;
	v12 =	vmul.f32 v12, v7  }
0x15e: {  	v13 =	vmul.f32 v13, v7;
	v14 =	vmul.f32 v14, v7  }
0x15f: {  	v15 =	vmul.f32 v15, v7;
	v16 =	vmul.f32 v16, v7;
	v10 =	vadd.f32 v10, v8  }
0x160: {  	v17 =	vmul.f32 v17, v7;
	v11 =	vadd.f32 v11, v8;
	v12 =	vadd.f32 v12, v8  }
0x161: {  	v18 =	vld [tilespmem:s28+$0x9270];
	v19 =	vmul.f32 v19, v7;
	v13 =	vadd.f32 v13, v8;
	v14 =	vadd.f32 v14, v8  }
0x162: {  	v20 =	vld [tilespmem:s28+$0x9210];
	v15 =	vadd.f32 v15, v8;
	v16 =	vadd.f32 v16, v8;
	v10 =	vmax.f32 v10, v9  }
0x163: {  	v11 =	vmax.f32 v11, v9;
	v12 =	vmax.f32 v12, v9;
	v10 =	vmin.f32 v10, v6  }
0x164: {  	v21 =	vld [tilespmem:s28+$0x9220];
	v13 =	vmax.f32 v13, v9;
	v14 =	vmax.f32 v14, v9;
	[tilespmem:s0+$0x9270] =	vst v10;
	v10 =	vmin.f32 v11, v6  }
0x165: {  	v16 =	vmax.f32 v16, v9;
	v12 =	vmin.f32 v12, v6;
	v13 =	vmin.f32 v13, v6;
	[tilespmem:s0+$0x9200] =	vst v10;
	v10 =	vld [tilespmem:s28+$0x9230]  }
0x166: {  	v11 =	vmax.f32 v15, v9;
	v15 =	vadd.f32 v17, v8;
	v17 =	vmul.f32 v18, v7;
	[tilespmem:s0+$0x9210] =	vst v12;
	v12 =	vld [tilespmem:s28+$0x9240]  }
0x167: {  	v14 =	vmin.f32 v14, v6;
	[tilespmem:s0+$0x9220] =	vst v13;
	v18 =	vmul.f32 v20, v7;
	v23 =	vmin.f32 v11, v6;
	v11 =	vld [tilespmem:s28+$0x9250]  }
0x168: {  	s25 =	simm.s32 $0x8;
	[tilespmem:s0+$0x9230] =	vst v14;
	v13 =	vld [tilespmem:s28+$0x9260];
	v14 =	vadd.f32 v19, v8;
	v22 =	vmax.f32 v15, v9;
	v17 =	vadd.f32 v17, v8  }
0x169: {  	s24 =	simm.s32 $0x800;
	s8 =	smul.u32 $0x3, s5;
	s6 =	simm.s32 $0x8;
	v19 =	vmul.f32 v21, v7;
	v15 =	vmin.f32 v16, v6;
	[tilespmem:s0+$0x9240] =	vst v23;
	v16 =	vmin.f32 v22, v6  }
.LBB2_7:
0x16a: {  	s26 =	sand.u32 $0x7C00, s24;
	s30 =	sand.u32 $0x380, s6;
	s25 =	sadd.s32 $0x8, s25;
	v18 =	vadd.f32 v18, v8;
	v10 =	vmul.f32 v10, v7;
	v17 =	vmax.f32 v17, v9;
	[tilespmem:s0+$0x9250] =	vst v15  }
0x16b: {  	p2 =	slt.u32 s25, $0x7F8;
	v15 =	vadd.f32 v19, v8;
	v12 =	vmul.f32 v12, v7;
	v17 =	vmin.f32 v17, v6;
	[tilespmem:s0+$0x9260] =	vst v16;
	s0 =	smov.u32 s28;
	s28 =	sor.u32 s30, s26  }
0x16c: {  	v14 =	vmax.f32 v14, v9;
	v16 =	vld [tilespmem:s28+$0x9270];
	v10 =	vadd.f32 v10, v8;
	v11 =	vmul.f32 v11, v7;
	[tilespmem:s0+$0x9270] =	vst v17  }
0x16d: {  	v18 =	vmax.f32 v18, v9;
	v17 =	vld [tilespmem:s28+$0x9200];
	v12 =	vadd.f32 v12, v8;
	v13 =	vmul.f32 v13, v7  }
0x16e: {  	v15 =	vmax.f32 v15, v9;
	v19 =	vld [tilespmem:s28+$0x9210];
	v20 =	vmax.f32 v10, v9;
	v11 =	vadd.f32 v11, v8  }
0x16f: {  	v14 =	vmin.f32 v14, v6;
	v21 =	vld [tilespmem:s28+$0x9220];
	v22 =	vmax.f32 v12, v9;
	v13 =	vadd.f32 v13, v8  }
.Ltmp6:
0x170: {  	v15 =	vmin.f32 v15, v6;
	v10 =	vld [tilespmem:s28+$0x9230];
	[tilespmem:s0+$0x9200] =	vst v14;
	v14 =	vmin.f32 v18, v6;
	v18 =	vmax.f32 v11, v9;
	(pc) =	sbr.rel @p2 .LBB2_7-.Ltmp6, $4  }
0x171: {  	v12 =	vld [tilespmem:s28+$0x9240];
	v16 =	vmul.f32 v16, v7;
	[tilespmem:s0+$0x9210] =	vst v14;
	v14 =	vmin.f32 v20, v6;
	v20 =	vmax.f32 v13, v9  }
0x172: {  	v22 =	vmin.f32 v22, v6;
	v23 =	vmul.f32 v17, v7;
	v11 =	vld [tilespmem:s28+$0x9250];
	[tilespmem:s0+$0x9220] =	vst v15;
	v15 =	vmin.f32 v18, v6  }
0x173: {  	v18 =	vmul.f32 v19, v7;
	v13 =	vld [tilespmem:s28+$0x9260];
	v17 =	vadd.f32 v16, v8;
	[tilespmem:s0+$0x9230] =	vst v14;
	v16 =	vmin.f32 v20, v6  }
0x174: {  	s6 =	sadd.s32 $0x4, s6;
	s24 =	sadd.s32 $0x400, s24;
	v14 =	vadd.f32 v23, v8;
	v19 =	vmul.f32 v21, v7;
	[tilespmem:s0+$0x9240] =	vst v22  }
0x175: {  	v18 =	vadd.f32 v18, v8  }
0x176: {  	v10 =	vmul.f32 v10, v7;
	v17 =	vmax.f32 v17, v9;
	[tilespmem:s0+$0x9250] =	vst v15;
	v61 =	vadd.f32 v19, v8  }
0x177: {  	[tilespmem:s0+$0x9260] =	vst v16;
	v12 =	vmul.f32 v12, v7;
	v17 =	vmin.f32 v17, v6;
	v14 =	vmax.f32 v14, v9  }
0x178: {  	v10 =	vadd.f32 v10, v8;
	[tilespmem:s28+$0x9270] =	vst v17;
	v62 =	vmax.f32 v18, v9;
	v14 =	vmin.f32 v14, v6  }
0x179: {  	v12 =	vadd.f32 v12, v8;
	v15 =	vmax.f32 v61, v9;
	[tilespmem:s28+$0x9200] =	vst v14;
	v63 =	vmin.f32 v62, v6  }
0x17a: {  	v11 =	vmul.f32 v11, v7;
	v10 =	vmax.f32 v10, v9;
	v15 =	vmin.f32 v15, v6;
	[tilespmem:s28+$0x9210] =	vst v63  }
0x17b: {  	v13 =	vmul.f32 v13, v7;
	v12 =	vmax.f32 v12, v9;
	v10 =	vmin.f32 v10, v6;
	[tilespmem:s28+$0x9220] =	vst v15  }
0x17c: {  	v11 =	vadd.f32 v11, v8;
	v12 =	vmin.f32 v12, v6;
	[tilespmem:s28+$0x9230] =	vst v10  }
0x17d: {  	v13 =	vadd.f32 v13, v8;
	[tilespmem:s28+$0x9240] =	vst v12  }
0x17e: {  	v11 =	vmax.f32 v11, v9;
	s0 =	rddreg [dreg:$0x7]  }
0x17f: {  	v10 =	vmax.f32 v13, v9;
	v11 =	vmin.f32 v11, v6;
	s0 =	sadd.s32 s8, s0  }
0x180: {  	v10 =	vmin.f32 v10, v6;
	[tilespmem:s28+$0x9250] =	vst v11;
	s0 =	sshll.u32 s0, $0xC  }
0x181: {  	s3 =	simm.s32 $0x9200;
	[tilespmem:s28+$0x9260] =	vst v10;
	s0 =	sadd.s32 s7, s0  }
0x182: {  	[hbm4b:s0+s2] =	stream.linear.scatter [tilespmem:s3], [sflag:$0x5], $0x8000, $0x38;
	[tilespmem:$0x19200] =	vst v63  }
0x183: {  	s0 =	simm.s32 @!p0 $0x5  }
0x184: {  	s6 =	smul.u32 @p1 $0x60, s5;
	_ =	swait.ge @!p0 [sflag:s0], $0x8000  }
0x185: {  	[sflag:s0] =	ssyncset.done @!p0 $0x0  }
0x186: {  	s28 =	sshra.s32 @p1 s6, $0x2;
	[sflag:s0] =	ssyncadd.s32 @!p0 $0xFFFF8000  }
0x187: {  	v10 =	vld.msk @p1 [tilespmem:s28+$0x20], $0xff;
	_ =	sdelay $0x4  }
0x188: {  	v11 =	vshll.u32 @p1 v10, $0x5  }
0x189: {  	v12 =	vlaneseq.u32 @p1;
	v10 =	vand.u32 @p1 $0x7, v10;
	v11 =	vand.u32 @p1 $0xFFFFFF00, v11  }
0x18a: {  	v10 =	vor.u32 @p1 v10, v11;
	v11 =	vand.u32 @p1 $0x7, v12;
	v12 =	vshrl.u32 @p1 v12, $0x3  }
0x18b: {  	v10 =	vperm.xlane @p1 v10, v11;
	v11 =	vmul.u32 @p1 $0x8, v12;
	_ =	sdelay $0x1  }
0x18c: {  	v10 =	vadd.s32 @p1 v11, v10;
	_ =	sdelay $0x3  }
0x18d: {  	vm1 =	vmmov @p1 $0xffff;
	s6 =	simm.s32 @p1 $0x9200;
	s0 =	simm.s32 @p1 $0x0  }
0x18e: {  	[tilespmem:s6], [sflag:$0x2] =	stream.indirect_vreg.gather @p1 [hbm4b:s4+s0], $0x80, v10, vm1, $0xb8;
	[tilespmem:$0x19200] =	vst v63  }
0x18f: {  	s6 =	simm.s32 @p1 $0x9A00  }
0x190: {  	[tilespmem:s6], [sflag:$0x2] =	stream.indirect_vreg.gather @p1 [hbm4b:s9+s0], $0x80, v10, vm1, $0xb8;
	[tilespmem:$0x19200] =	vst v63  }
0x191: {  	s6 =	simm.s32 @p1 $0xA200  }
0x192: {  	[tilespmem:s6], [sflag:$0x2] =	stream.indirect_vreg.gather @p1 [hbm4b:s10+s0], $0x80, v10, vm1, $0xb8;
	[tilespmem:$0x19200] =	vst v63  }
0x193: {  	s6 =	simm.s32 @p1 $0xAA00  }
0x194: {  	[tilespmem:s6], [sflag:$0x2] =	stream.indirect_vreg.gather @p1 [hbm4b:s11+s0], $0x80, v10, vm1, $0xb8;
	[tilespmem:$0x19200] =	vst v63  }
0x195: {  	s6 =	simm.s32 @p1 $0xB200  }
0x196: {  	[tilespmem:s6], [sflag:$0x2] =	stream.indirect_vreg.gather @p1 [hbm4b:s12+s0], $0x80, v10, vm1, $0xb8;
	[tilespmem:$0x19200] =	vst v63  }
0x197: {  	s6 =	simm.s32 @p1 $0xBA00  }
0x198: {  	[tilespmem:s6], [sflag:$0x2] =	stream.indirect_vreg.gather @p1 [hbm4b:s13+s0], $0x80, v10, vm1, $0xb8;
	[tilespmem:$0x19200] =	vst v63  }
0x199: {  	s6 =	simm.s32 @p1 $0xC200  }
0x19a: {  	[tilespmem:s6], [sflag:$0x2] =	stream.indirect_vreg.gather @p1 [hbm4b:s14+s0], $0x80, v10, vm1, $0xb8;
	[tilespmem:$0x19200] =	vst v63  }
0x19b: {  	s6 =	simm.s32 @p1 $0xCA00  }
0x19c: {  	[tilespmem:s6], [sflag:$0x2] =	stream.indirect_vreg.gather @p1 [hbm4b:s15+s0], $0x80, v10, vm1, $0xb8;
	[tilespmem:$0x19200] =	vst v63  }
0x19d: {  	s6 =	simm.s32 @p1 $0xD200  }
0x19e: {  	[tilespmem:s6], [sflag:$0x2] =	stream.indirect_vreg.gather @p1 [hbm4b:s16+s0], $0x80, v10, vm1, $0xb8;
	[tilespmem:$0x19200] =	vst v63  }
0x19f: {  	s6 =	simm.s32 @p1 $0xDA00  }
0x1a0: {  	[tilespmem:s6], [sflag:$0x2] =	stream.indirect_vreg.gather @p1 [hbm4b:s17+s0], $0x80, v10, vm1, $0xb8;
	[tilespmem:$0x19200] =	vst v63  }
0x1a1: {  	s6 =	simm.s32 @p1 $0xE200  }
0x1a2: {  	[tilespmem:s6], [sflag:$0x2] =	stream.indirect_vreg.gather @p1 [hbm4b:s18+s0], $0x80, v10, vm1, $0xb8;
	[tilespmem:$0x19200] =	vst v63  }
0x1a3: {  	s6 =	simm.s32 @p1 $0xEA00  }
0x1a4: {  	[tilespmem:s6], [sflag:$0x2] =	stream.indirect_vreg.gather @p1 [hbm4b:s19+s0], $0x80, v10, vm1, $0xb8;
	[tilespmem:$0x19200] =	vst v63  }
0x1a5: {  	s6 =	simm.s32 @p1 $0xF200  }
0x1a6: {  	[tilespmem:s6], [sflag:$0x2] =	stream.indirect_vreg.gather @p1 [hbm4b:s20+s0], $0x80, v10, vm1, $0xb8;
	[tilespmem:$0x19200] =	vst v63  }
0x1a7: {  	s6 =	simm.s32 @p1 $0xFA00  }
0x1a8: {  	[tilespmem:s6], [sflag:$0x2] =	stream.indirect_vreg.gather @p1 [hbm4b:s21+s0], $0x80, v10, vm1, $0xb8;
	[tilespmem:$0x19200] =	vst v63  }
0x1a9: {  	s6 =	simm.s32 @p1 $0x10200  }
0x1aa: {  	[tilespmem:s6], [sflag:$0x2] =	stream.indirect_vreg.gather @p1 [hbm4b:s22+s0], $0x80, v10, vm1, $0xb8;
	[tilespmem:$0x19200] =	vst v63  }
0x1ab: {  	p2 =	seq.s32 @p1 s5, $0xA;
	s6 =	simm.s32 @p1 $0x10A00  }
0x1ac: {  	[tilespmem:s6], [sflag:$0x2] =	stream.indirect_vreg.gather @p1 [hbm4b:s23+s0], $0x80, v10, vm1, $0xb8;
	[tilespmem:$0x19200] =	vst v63  }
0x1ad: {  	p1 =	por !p1, p2  }
.Ltmp7:
0x1ae: {  	_ = 	snop;
	(pc) =	sbr.rel @p1 .LBB2_14-.Ltmp7, $1  }
0x1af: {  	_ =	sdelay $0x3  }
0x1b0: {  	s3 =	simm.s32 $0x3  }
0x1b1: {  	s0 =	simm.s32 $0x0;
	_ =	swait.ge [sflag:s3], $0x8000  }
0x1b2: {  	s6 =	sand.u32 $0x7C00, s0;
	s0 =	sand.u32 $0x380, s0;
	[sflag:s3] =	ssyncset.done $0x0  }
0x1b3: {  	s26 =	sor.u32 s0, s6;
	[sflag:s3] =	ssyncadd.s32 $0xFFFF8000  }
0x1b4: {  	s31 =	sadd.s32 $0x11200, s26;
	v10 =	vld [tilespmem:s26+$0x11200]  }
0x1b5: {  	v11 =	vld [tilespmem:s31+$0x70]  }
0x1b6: {  	v12 =	vld [tilespmem:s31+$0x10]  }
0x1b7: {  	v13 =	vld [tilespmem:s31+$0x20]  }
0x1b8: {  	v14 =	vld [tilespmem:s31+$0x30]  }
0x1b9: {  	v16 =	vld [tilespmem:s31+$0x50]  }
0x1ba: {  	v15 =	vld [tilespmem:s31+$0x40]  }
0x1bb: {  	s25 =	simm.s32 $0x4;
	s29 =	simm.s32 $0x400;
	v17 =	vld [tilespmem:s31+$0x60];
	v10 =	vmul.f32 v10, v7  }
0x1bc: {  	s6 =	sand.u32 $0x7C00, s29;
	s0 =	sand.u32 $0x380, s25;
	v11 =	vmul.f32 v11, v7;
	v12 =	vmul.f32 v12, v7  }
0x1bd: {  	s30 =	sor.u32 s0, s6;
	v13 =	vmul.f32 v13, v7;
	v10 =	vadd.f32 v10, v8  }
0x1be: {  	s0 =	sadd.s32 $0x11200, s30;
	v16 =	vmul.f32 v16, v7;
	v11 =	vadd.f32 v11, v8;
	v12 =	vadd.f32 v12, v8  }
0x1bf: {  	v19 =	vld [tilespmem:s0+$0x70];
	v13 =	vadd.f32 v13, v8;
	v18 =	vmax.f32 v10, v9;
	v10 =	vmul.f32 v14, v7  }
0x1c0: {  	v17 =	vmul.f32 v17, v7;
	v14 =	vmul.f32 v15, v7;
	v11 =	vmax.f32 v11, v9;
	v15 =	vld [tilespmem:s30+$0x11200]  }
0x1c1: {  	v21 =	vld [tilespmem:s0+$0x20];
	v12 =	vmax.f32 v12, v9;
	v13 =	vmax.f32 v13, v9;
	v10 =	vadd.f32 v10, v8  }
0x1c2: {  	v20 =	vld [tilespmem:s0+$0x10];
	v11 =	vmin.f32 v11, v6;
	v12 =	vmin.f32 v12, v6;
	v14 =	vadd.f32 v14, v8  }
0x1c3: {  	[tilespmem:s31+$0x70] =	vst v11;
	v11 =	vadd.f32 v16, v8;
	v16 =	vadd.f32 v17, v8;
	v10 =	vmax.f32 v10, v9  }
0x1c4: {  	[tilespmem:s31+$0x10] =	vst v12;
	v12 =	vmin.f32 v13, v6;
	v14 =	vmax.f32 v14, v9;
	v13 =	vmin.f32 v10, v6;
	v10 =	vld [tilespmem:s0+$0x30]  }
0x1c5: {  	v23 =	vmul.f32 v19, v7;
	[tilespmem:s31+$0x20] =	vst v12;
	v17 =	vmul.f32 v15, v7;
	v22 =	vmin.f32 v14, v6;
	v14 =	vld [tilespmem:s0+$0x40]  }
0x1c6: {  	v19 =	vmul.f32 v21, v7;
	v12 =	vld [tilespmem:s0+$0x50];
	v11 =	vmax.f32 v11, v9;
	v15 =	vmax.f32 v16, v9;
	[tilespmem:s31+$0x30] =	vst v13  }
0x1c7: {  	v24 =	vmin.f32 v11, v6;
	[tilespmem:s31+$0x40] =	vst v22;
	v13 =	vld [tilespmem:s0+$0x60];
	v11 =	vadd.f32 v17, v8;
	v17 =	vmul.f32 v20, v7  }
0x1c8: {  	s24 =	simm.s32 $0x800;
	s25 =	simm.s32 $0x8;
	s6 =	simm.s32 $0x8;
	v16 =	vmin.f32 v18, v6;
	v18 =	vadd.f32 v23, v8;
	v15 =	vmin.f32 v15, v6;
	[tilespmem:s31+$0x50] =	vst v24  }
.LBB2_10:
0x1c9: {  	s29 =	sand.u32 $0x7C00, s24;
	s3 =	sand.u32 $0x380, s6;
	s25 =	sadd.s32 $0x8, s25;
	v20 =	vmax.f32 v11, v9;
	v11 =	vadd.f32 v17, v8;
	v10 =	vmul.f32 v10, v7;
	[tilespmem:s31+$0x60] =	vst v15  }
0x1ca: {  	p1 =	slt.u32 s25, $0x7F8;
	v15 =	vadd.f32 v19, v8;
	v14 =	vmul.f32 v14, v7;
	v17 =	vmax.f32 v18, v9;
	[tilespmem:s26+$0x11200] =	vst v16;
	s26 =	smov.u32 s30;
	s30 =	sor.u32 s3, s29  }
0x1cb: {  	s31 =	smov.u32 s0;
	v16 =	vld [tilespmem:s30+$0x11200];
	v10 =	vadd.f32 v10, v8;
	v12 =	vmul.f32 v12, v7;
	v17 =	vmin.f32 v17, v6;
	s0 =	sadd.s32 $0x11200, s30  }
0x1cc: {  	v11 =	vmax.f32 v11, v9;
	v18 =	vld [tilespmem:s0+$0x70];
	v14 =	vadd.f32 v14, v8;
	v13 =	vmul.f32 v13, v7;
	[tilespmem:s31+$0x70] =	vst v17  }
0x1cd: {  	v15 =	vmax.f32 v15, v9;
	v17 =	vld [tilespmem:s0+$0x10];
	v19 =	vmax.f32 v10, v9;
	v12 =	vadd.f32 v12, v8  }
0x1ce: {  	v11 =	vmin.f32 v11, v6;
	v21 =	vld [tilespmem:s0+$0x20];
	v22 =	vmax.f32 v14, v9;
	v13 =	vadd.f32 v13, v8  }
.Ltmp8:
0x1cf: {  	v10 =	vld [tilespmem:s0+$0x30];
	[tilespmem:s31+$0x10] =	vst v11;
	v11 =	vmin.f32 v15, v6;
	v15 =	vmin.f32 v19, v6;
	v19 =	vmax.f32 v12, v9;
	(pc) =	sbr.rel @p1 .LBB2_10-.Ltmp8, $4  }
0x1d0: {  	v22 =	vmin.f32 v22, v6;
	v16 =	vmul.f32 v16, v7;
	v14 =	vld [tilespmem:s0+$0x40];
	[tilespmem:s31+$0x20] =	vst v11;
	v11 =	vmax.f32 v13, v9  }
0x1d1: {  	v23 =	vmin.f32 v19, v6;
	v12 =	vld [tilespmem:s0+$0x50];
	v18 =	vmul.f32 v18, v7;
	[tilespmem:s31+$0x30] =	vst v15;
	v15 =	vmin.f32 v11, v6  }
0x1d2: {  	v11 =	vadd.f32 v16, v8;
	v17 =	vmul.f32 v17, v7;
	v13 =	vld [tilespmem:s0+$0x60];
	v16 =	vmin.f32 v20, v6;
	[tilespmem:s31+$0x40] =	vst v22  }
0x1d3: {  	s6 =	sadd.s32 $0x4, s6;
	s24 =	sadd.s32 $0x400, s24;
	v19 =	vmul.f32 v21, v7;
	v18 =	vadd.f32 v18, v8;
	[tilespmem:s31+$0x50] =	vst v23  }
0x1d4: {  	v10 =	vmul.f32 v10, v7  }
0x1d5: {  	v17 =	vadd.f32 v17, v8;
	v19 =	vadd.f32 v19, v8  }
0x1d6: {  	[tilespmem:s31+$0x60] =	vst v15;
	v14 =	vmul.f32 v14, v7;
	v61 =	vmax.f32 v18, v9;
	v10 =	vadd.f32 v10, v8  }
0x1d7: {  	[tilespmem:s26+$0x11200] =	vst v16;
	v12 =	vmul.f32 v12, v7;
	v15 =	vmin.f32 v61, v6;
	v62 =	vmax.f32 v17, v9  }
0x1d8: {  	v14 =	vadd.f32 v14, v8;
	[tilespmem:s0+$0x70] =	vst v15;
	v63 =	vmax.f32 v19, v9;
	v16 =	vmin.f32 v62, v6  }
0x1d9: {  	v10 =	vmax.f32 v10, v9;
	v12 =	vadd.f32 v12, v8;
	[tilespmem:s0+$0x10] =	vst v16;
	v15 =	vmin.f32 v63, v6  }
0x1da: {  	v13 =	vmul.f32 v13, v7;
	v14 =	vmax.f32 v14, v9;
	v10 =	vmin.f32 v10, v6;
	[tilespmem:s0+$0x20] =	vst v15  }
0x1db: {  	v12 =	vmax.f32 v12, v9;
	v14 =	vmin.f32 v14, v6;
	[tilespmem:s0+$0x30] =	vst v10  }
0x1dc: {  	v13 =	vadd.f32 v13, v8;
	v12 =	vmin.f32 v12, v6;
	[tilespmem:s0+$0x40] =	vst v14  }
0x1dd: {  	[tilespmem:s0+$0x50] =	vst v12  }
0x1de: {  	v10 =	vmax.f32 v13, v9;
	s3 =	rddreg [dreg:$0x8]  }
0x1df: {  	v11 =	vmax.f32 v11, v9;
	v10 =	vmin.f32 v10, v6;
	s3 =	sadd.s32 s8, s3  }
0x1e0: {  	p1 =	sgt.u32 @!p0 s5, $0x8;
	v11 =	vmin.f32 v11, v6;
	[tilespmem:s0+$0x60] =	vst v10;
	s29 =	sshll.u32 s3, $0xC  }
0x1e1: {  	s31 =	simm.s32 $0x11200;
	p1 =	por p0, !p1;
	[tilespmem:s30+$0x11200] =	vst v11;
	s0 =	sadd.s32 s7, s29  }
0x1e2: {  	[hbm4b:s0+s2] =	stream.linear.scatter [tilespmem:s31], [sflag:$0x6], $0x8000, $0x38;
	[tilespmem:$0x19200] =	vst v63  }
.Ltmp9:
0x1e3: {  	_ = 	snop;
	(pc) =	sbr.rel @!p1 .LBB2_13-.Ltmp9, $4  }
0x1e4: {  	s0 =	simm.s32 @!p0 $0x6  }
0x1e5: {  	_ =	swait.ge @!p0 [sflag:s0], $0x8000  }
0x1e6: {  	[sflag:s0] =	ssyncset.done @!p0 $0x0  }
0x1e7: {  	[sflag:s0] =	ssyncadd.s32 @!p0 $0xFFFF8000  }
0x1e8: {  	v10 =	vld.msk [tilespmem:s28+$0x28], $0xff;
	_ =	sdelay $0x4  }
0x1e9: {  	v11 =	vshll.u32 v10, $0x5  }
0x1ea: {  	v10 =	vand.u32 $0x7, v10;
	v11 =	vand.u32 $0xFFFFFF00, v11  }
0x1eb: {  	v10 =	vor.u32 v10, v11  }
0x1ec: {  	v10 =	vperm.xlane v10, v4;
	_ =	sdelay $0x1  }
0x1ed: {  	v10 =	vadd.s32 v5, v10;
	_ =	sdelay $0x3  }
0x1ee: {  	s0 =	simm.s32 $0x11200  }
0x1ef: {  	[tilespmem:s0], [sflag:$0x3] =	stream.indirect_vreg.gather [hbm4b:s4+s2], $0x80, v10, vm0, $0xb8;
	[tilespmem:$0x19200] =	vst v63  }
0x1f0: {  	s26 =	simm.s32 $0x11A00  }
0x1f1: {  	[tilespmem:s26], [sflag:$0x3] =	stream.indirect_vreg.gather [hbm4b:s9+s2], $0x80, v10, vm0, $0xb8;
	[tilespmem:$0x19200] =	vst v63  }
0x1f2: {  	s28 =	simm.s32 $0x12200  }
0x1f3: {  	[tilespmem:s28], [sflag:$0x3] =	stream.indirect_vreg.gather [hbm4b:s10+s2], $0x80, v10, vm0, $0xb8;
	[tilespmem:$0x19200] =	vst v63  }
0x1f4: {  	s29 =	simm.s32 $0x12A00  }
0x1f5: {  	[tilespmem:s29], [sflag:$0x3] =	stream.indirect_vreg.gather [hbm4b:s11+s2], $0x80, v10, vm0, $0xb8;
	[tilespmem:$0x19200] =	vst v63  }
0x1f6: {  	s30 =	simm.s32 $0x13200  }
0x1f7: {  	[tilespmem:s30], [sflag:$0x3] =	stream.indirect_vreg.gather [hbm4b:s12+s2], $0x80, v10, vm0, $0xb8;
	[tilespmem:$0x19200] =	vst v63  }
0x1f8: {  	s31 =	simm.s32 $0x13A00  }
0x1f9: {  	[tilespmem:s31], [sflag:$0x3] =	stream.indirect_vreg.gather [hbm4b:s13+s2], $0x80, v10, vm0, $0xb8;
	[tilespmem:$0x19200] =	vst v63  }
0x1fa: {  	s3 =	simm.s32 $0x14200  }
0x1fb: {  	[tilespmem:s3], [sflag:$0x3] =	stream.indirect_vreg.gather [hbm4b:s14+s2], $0x80, v10, vm0, $0xb8;
	[tilespmem:$0x19200] =	vst v63  }
0x1fc: {  	s6 =	simm.s32 $0x14A00  }
0x1fd: {  	[tilespmem:s6], [sflag:$0x3] =	stream.indirect_vreg.gather [hbm4b:s15+s2], $0x80, v10, vm0, $0xb8;
	[tilespmem:$0x19200] =	vst v63  }
0x1fe: {  	s8 =	simm.s32 $0x15200  }
0x1ff: {  	[tilespmem:s8], [sflag:$0x3] =	stream.indirect_vreg.gather [hbm4b:s16+s2], $0x80, v10, vm0, $0xb8;
	[tilespmem:$0x19200] =	vst v63  }
0x200: {  	s24 =	simm.s32 $0x15A00  }
0x201: {  	[tilespmem:s24], [sflag:$0x3] =	stream.indirect_vreg.gather [hbm4b:s17+s2], $0x80, v10, vm0, $0xb8;
	[tilespmem:$0x19200] =	vst v63  }
0x202: {  	s25 =	simm.s32 $0x16200  }
0x203: {  	[tilespmem:s25], [sflag:$0x3] =	stream.indirect_vreg.gather [hbm4b:s18+s2], $0x80, v10, vm0, $0xb8;
	[tilespmem:$0x19200] =	vst v63  }
0x204: {  	s26 =	simm.s32 $0x16A00  }
0x205: {  	[tilespmem:s26], [sflag:$0x3] =	stream.indirect_vreg.gather [hbm4b:s19+s2], $0x80, v10, vm0, $0xb8;
	[tilespmem:$0x19200] =	vst v63  }
0x206: {  	s28 =	simm.s32 $0x17200  }
0x207: {  	[tilespmem:s28], [sflag:$0x3] =	stream.indirect_vreg.gather [hbm4b:s20+s2], $0x80, v10, vm0, $0xb8;
	[tilespmem:$0x19200] =	vst v63  }
0x208: {  	s29 =	simm.s32 $0x17A00  }
0x209: {  	[tilespmem:s29], [sflag:$0x3] =	stream.indirect_vreg.gather [hbm4b:s21+s2], $0x80, v10, vm0, $0xb8;
	[tilespmem:$0x19200] =	vst v63  }
.Ltmp10:
0x20a: {  	_ = 	snop;
	(pc) =	sbr.rel .LBB2_13-.Ltmp10, $4  }
0x20b: {  	s30 =	simm.s32 $0x18200  }
0x20c: {  	[tilespmem:s30], [sflag:$0x3] =	stream.indirect_vreg.gather [hbm4b:s22+s2], $0x80, v10, vm0, $0xb8;
	[tilespmem:$0x19200] =	vst v63  }
0x20d: {  	s31 =	simm.s32 $0x18A00  }
0x20e: {  	[tilespmem:s31], [sflag:$0x3] =	stream.indirect_vreg.gather [hbm4b:s23+s2], $0x80, v10, vm0, $0xb8;
	[tilespmem:$0x19200] =	vst v63  }
.LBB2_15:
0x20f: {  	_ =	sfence.sel $0x180000  }
0x210: {  	[bflag:$0x0] =	sbarrier.arrive $0xFFFF  }
0x211: {  	_ =	strace $0x9000004A  }
0x212: {  	s0 =	stileid.u32;
	[bflag:$0x2] =	sbarrier.arrive $0xFFFF  }
0x213: {  	p0 =	sne.s32 s0, $0x0;
	s0 =	rddreg [dreg:$0x3]  }
0x214: {  	s0 =	sadd.s32 @!p0 $0x100000, s0  }
0x215: {  	[sflag:s0] =	ssyncadd.tile.s32 @!p0 $0x1;
	_ =	shalt  }
.Lfunc_end2:
_tile_overlayer_lowered:
.L_overlay_start_2:
0x216: {  	(tag) =	ssettag $0x2  }
0x217: {  	s0 =	rddreg [dreg:$0x0];
	s2 =	stileid.u32  }
0x218: {  	s1 =	rddreg [dreg:$0x1];
	p0 =	sne.s32 s2, $0x0  }
0x219: {  	s3 =	rddreg [dreg:$0x2];
	[bflag:$0x3] =	sbarrier.arrive $0xFFFF;
	s2 =	simm.s32 @!p0 $0x1C07  }
0x21a: {  	[timem:s3], [sflag:s2] =	dma.local @!p0 [hbm:s0], s1  }
0x21b: {  	s0 =	simm.s32 @!p0 $0x7  }
0x21c: {  	_ =	swait.ge @!p0 [sflag:s0], s1  }
0x21d: {  	s1 =	ssub.s32 @!p0 $0x0, s1;
	[sflag:s0] =	ssyncset.done @!p0 $0x0  }
0x21e: {  	[sflag:s0] =	ssyncadd.s32 @!p0 s1  }
0x21f: {  	[bflag:$0x3] =	sbarrier.arrive $0xFFFF  }
0x220: {  	_ =	shalt  }

</sc_bundles>
